<compile_context>
chip_gen: v7x
topology: tpu7x:2x2x1
jax: 0.10.2.dev20260603
libtpu: 0.0.44.dev20260713+nightly
codegen_flags: <defaults>
</compile_context>

<pallas_src>
import jax
import jax.numpy as jnp
from jax import lax
from jax.experimental import pallas as pl
from jax.experimental.pallas import tpu as pltpu
from jax.experimental.pallas import tpu_sc as plsc

N = 10000
E = 320000
EMB = 128
HALF = 64
NUM_REL = 2

NTILE = 16
CHUNK = 64
NBUF = 2
ACC = 20096
ROWS_PER_TILE = ACC // NTILE
EP = 321536
PER_TILE_E = EP // NTILE
NCHUNK = PER_TILE_E // CHUNK
NGRP = NCHUNK // NBUF
TROWS = N // NTILE

_f32 = jnp.float32


def _leaky(x):
    return jnp.where(x >= 0, x, 0.01 * x)


def _make_sc_agg(with_cnt: bool):
    mesh = plsc.VectorSubcoreMesh(
        core_axis_name="c", subcore_axis_name="s", num_cores=2, num_subcores=NTILE
    )
    out_type = [jax.ShapeDtypeStruct((2 * ACC, HALF), _f32)]
    if with_cnt:
        out_type.append(jax.ShapeDtypeStruct((ACC,), _f32))

    def body(*refs):
        (xh0, xh1, eidx, z2d, zc, ones_h) = refs[:6]
        nout = 2 if with_cnt else 1
        outs = refs[6:6 + nout]
        agg = outs[0]
        cnt = outs[1] if with_cnt else None
        rest = list(refs[6 + nout:])
        eidx_v = rest[0:NBUF]
        gidx_v = rest[NBUF:2 * NBUF]
        sidx_v = rest[2 * NBUF:3 * NBUF]
        rows_v = rest[3 * NBUF:4 * NBUF]
        (ones_v, acc, acc_cnt, xtab, sem_i, sem_g, sem_s, sem_c) = rest[4 * NBUF:]

        c = lax.axis_index("c")
        s = lax.axis_index("s")
        zbase = s * ROWS_PER_TILE
        tbase = s * TROWS

        @pl.when(c == 0)
        def _():
            pltpu.async_copy(xh0.at[pl.ds(tbase, TROWS)],
                             xtab.at[pl.ds(tbase, TROWS)], sem_i)

        @pl.when(c == 1)
        def _():
            pltpu.async_copy(xh1.at[pl.ds(tbase, TROWS)],
                             xtab.at[pl.ds(tbase, TROWS)], sem_i)
        pltpu.async_copy(z2d, acc.at[pl.ds(zbase, ROWS_PER_TILE)], sem_i)
        if with_cnt:
            @pl.when(c == 0)
            def _():
                pltpu.async_copy(zc, acc_cnt.at[pl.ds(zbase, ROWS_PER_TILE)], sem_i)
                pltpu.sync_copy(ones_h, ones_v)
        @pl.when(c == 0)
        def _():
            pltpu.make_async_copy(xh0.at[pl.ds(tbase, TROWS)],
                                  xtab.at[pl.ds(tbase, TROWS)], sem_i).wait()

        @pl.when(c == 1)
        def _():
            pltpu.make_async_copy(xh1.at[pl.ds(tbase, TROWS)],
                                  xtab.at[pl.ds(tbase, TROWS)], sem_i).wait()
        pltpu.make_async_copy(z2d, acc.at[pl.ds(zbase, ROWS_PER_TILE)], sem_i).wait()
        if with_cnt:
            @pl.when(c == 0)
            def _():
                pltpu.make_async_copy(
                    zc, acc_cnt.at[pl.ds(zbase, ROWS_PER_TILE)], sem_i).wait()
        plsc.subcore_barrier()

        cbase = s * NCHUNK

        for b in range(NBUF):
            pltpu.async_copy(eidx.at[cbase + b], eidx_v[b], sem_i)

        def grp(g, carry):
            k0 = g * NBUF
            for b in range(NBUF):
                cid = cbase + k0 + b

                @pl.when(g > 0)
                def _(b=b, cid=cid):
                    pltpu.make_async_copy(rows_v[b], acc.at[sidx_v[b]], sem_s).wait()
                    if with_cnt:
                        @pl.when(c == 0)
                        def _():
                            pltpu.make_async_copy(
                                ones_v, acc_cnt.at[sidx_v[b]], sem_c).wait()

                pltpu.make_async_copy(eidx.at[cid], eidx_v[b], sem_i).wait()
                for j in range(CHUNK // 16):
                    sl = pl.ds(j * 16, 16)
                    gidx_v[b][sl] = eidx_v[b][0, sl]
                    sidx_v[b][sl] = eidx_v[b][1, sl]

                @pl.when(g < NGRP - 1)
                def _(b=b, cid=cid):
                    pltpu.async_copy(eidx.at[cid + NBUF], eidx_v[b], sem_i)

                pltpu.async_copy(xtab.at[gidx_v[b]], rows_v[b], sem_g)

            for b in range(NBUF):
                pltpu.make_async_copy(xtab.at[gidx_v[b]], rows_v[b], sem_g).wait()
                pltpu.async_copy(rows_v[b], acc.at[sidx_v[b]], sem_s, add=True)
                if with_cnt:
                    @pl.when(c == 0)
                    def _(b=b):
                        pltpu.async_copy(ones_v, acc_cnt.at[sidx_v[b]], sem_c, add=True)
            return carry

        lax.fori_loop(0, NGRP, grp, 0)

        for b in range(NBUF):
            pltpu.make_async_copy(rows_v[b], acc.at[sidx_v[b]], sem_s).wait()
            if with_cnt:
                @pl.when(c == 0)
                def _(b=b):
                    pltpu.make_async_copy(ones_v, acc_cnt.at[sidx_v[b]], sem_c).wait()
        plsc.subcore_barrier()

        pltpu.sync_copy(acc.at[pl.ds(zbase, ROWS_PER_TILE)],
                        agg.at[pl.ds(c * ACC + zbase, ROWS_PER_TILE)])
        if with_cnt:
            @pl.when(c == 0)
            def _():
                pltpu.sync_copy(acc_cnt.at[pl.ds(zbase, ROWS_PER_TILE)],
                                cnt.at[pl.ds(zbase, ROWS_PER_TILE)])

    return pl.kernel(
        body,
        out_type=out_type,
        mesh=mesh,
        scratch_types=(
            [pltpu.VMEM((2, CHUNK), jnp.int32) for _ in range(NBUF)]
            + [pltpu.VMEM((CHUNK,), jnp.int32) for _ in range(NBUF)]
            + [pltpu.VMEM((CHUNK,), jnp.int32) for _ in range(NBUF)]
            + [pltpu.VMEM((CHUNK, HALF), _f32) for _ in range(NBUF)]
            + [
                pltpu.VMEM((CHUNK,), _f32),
                pltpu.VMEM_SHARED((ACC, HALF), _f32),
                pltpu.VMEM_SHARED((ACC,), _f32),
                pltpu.VMEM_SHARED((N, HALF), _f32),
                pltpu.SemaphoreType.DMA,
                pltpu.SemaphoreType.DMA,
                pltpu.SemaphoreType.DMA,
                pltpu.SemaphoreType.DMA,
            ]
        ),
        compiler_params=pltpu.CompilerParams(use_tc_tiling_on_sc=False),
    )


_TB = 1000


def _tc_input(des, tweet, Wd, bd, Wt, bt, Wi, bi):
    def body(des_r, tw_r, Wd_r, bd_r, Wt_r, bt_r, Wi_r, bi_r, out_r, h0_r, h1_r):
        d = _leaky(jnp.dot(des_r[...], Wd_r[...], preferred_element_type=_f32) + bd_r[...])
        t = _leaky(jnp.dot(tw_r[...], Wt_r[...], preferred_element_type=_f32) + bt_r[...])
        xc = jnp.concatenate([d, t], axis=1)
        xv = _leaky(jnp.dot(xc, Wi_r[...], preferred_element_type=_f32) + bi_r[...])
        out_r[...] = xv
        hv = xv.astype(jnp.bfloat16).astype(_f32)
        h0_r[...] = hv[:, :HALF]
        h1_r[...] = hv[:, HALF:]

    return pl.pallas_call(
        body,
        grid=(N // _TB,),
        in_specs=[
            pl.BlockSpec((_TB, 768), lambda i: (i, 0)),
            pl.BlockSpec((_TB, 768), lambda i: (i, 0)),
            pl.BlockSpec((768, HALF), lambda i: (0, 0)),
            pl.BlockSpec((1, HALF), lambda i: (0, 0)),
            pl.BlockSpec((768, HALF), lambda i: (0, 0)),
            pl.BlockSpec((1, HALF), lambda i: (0, 0)),
            pl.BlockSpec((EMB, EMB), lambda i: (0, 0)),
            pl.BlockSpec((1, EMB), lambda i: (0, 0)),
        ],
        out_specs=[
            pl.BlockSpec((_TB, EMB), lambda i: (i, 0)),
            pl.BlockSpec((_TB, HALF), lambda i: (i, 0)),
            pl.BlockSpec((_TB, HALF), lambda i: (i, 0)),
        ],
        out_shape=[
            jax.ShapeDtypeStruct((N, EMB), _f32),
            jax.ShapeDtypeStruct((N, HALF), _f32),
            jax.ShapeDtypeStruct((N, HALF), _f32),
        ],
    )(des, tweet, Wd, bd.reshape(1, HALF), Wt, bt.reshape(1, HALF), Wi, bi.reshape(1, EMB))


def _tc_combine(x, p00, p10, p01, p11, c0, c1, Wroot, b, W0, W1, head):
    def body(*refs):
        (x_r, p00_r, p10_r, p01_r, p11_r, c0_r, c1_r, Wroot_r, b_r, W0_r, W1_r) = refs[:11]
        if head:
            out_r = refs[-1]
        cm0 = jnp.maximum(c0_r[...], 1.0)
        cm1 = jnp.maximum(c1_r[...], 1.0)
        a0 = jnp.concatenate([p00_r[...], p10_r[...]], axis=1)
        a1 = jnp.concatenate([p01_r[...], p11_r[...]], axis=1)
        y = (jnp.dot(x_r[...], Wroot_r[...], preferred_element_type=_f32) + b_r[...]
             + jnp.dot(a0, W0_r[...], preferred_element_type=_f32,
                       precision=lax.Precision.HIGHEST) / cm0
             + jnp.dot(a1, W1_r[...], preferred_element_type=_f32,
                       precision=lax.Precision.HIGHEST) / cm1)
        if head:
            (Wo1_r, bo1_r, Wo2_r, bo2_r) = refs[11:15]
            z = _leaky(jnp.dot(y, Wo1_r[...], preferred_element_type=_f32) + bo1_r[...])
            y = jnp.dot(z, Wo2_r[...], preferred_element_type=_f32) + bo2_r[...]
            out_r[...] = y
        else:
            out_r, h0_r, h1_r = refs[-3:]
            out_r[...] = y
            hv = y.astype(jnp.bfloat16).astype(_f32)
            h0_r[...] = hv[:, :HALF]
            h1_r[...] = hv[:, HALF:]

    in_specs = [
        pl.BlockSpec((_TB, EMB), lambda i: (i, 0)),
        pl.BlockSpec((_TB, HALF), lambda i: (i, 0)),
        pl.BlockSpec((_TB, HALF), lambda i: (i, 0)),
        pl.BlockSpec((_TB, HALF), lambda i: (i, 0)),
        pl.BlockSpec((_TB, HALF), lambda i: (i, 0)),
        pl.BlockSpec((_TB, 1), lambda i: (i, 0)),
        pl.BlockSpec((_TB, 1), lambda i: (i, 0)),
        pl.BlockSpec((EMB, EMB), lambda i: (0, 0)),
        pl.BlockSpec((1, EMB), lambda i: (0, 0)),
        pl.BlockSpec((EMB, EMB), lambda i: (0, 0)),
        pl.BlockSpec((EMB, EMB), lambda i: (0, 0)),
    ]
    args = [x, p00, p10, p01, p11, c0, c1, Wroot, b.reshape(1, EMB), W0, W1]
    if head:
        Wo1, bo1, Wo2p, bo2p = head
        in_specs += [
            pl.BlockSpec((EMB, EMB), lambda i: (0, 0)),
            pl.BlockSpec((1, EMB), lambda i: (0, 0)),
            pl.BlockSpec((EMB, EMB), lambda i: (0, 0)),
            pl.BlockSpec((1, EMB), lambda i: (0, 0)),
        ]
        args += [Wo1, bo1.reshape(1, EMB), Wo2p, bo2p]

    if head:
        out_specs = pl.BlockSpec((_TB, EMB), lambda i: (i, 0))
        out_shape = jax.ShapeDtypeStruct((N, EMB), _f32)
    else:
        out_specs = [
            pl.BlockSpec((_TB, EMB), lambda i: (i, 0)),
            pl.BlockSpec((_TB, HALF), lambda i: (i, 0)),
            pl.BlockSpec((_TB, HALF), lambda i: (i, 0)),
        ]
        out_shape = [
            jax.ShapeDtypeStruct((N, EMB), _f32),
            jax.ShapeDtypeStruct((N, HALF), _f32),
            jax.ShapeDtypeStruct((N, HALF), _f32),
        ]
    return pl.pallas_call(
        body,
        grid=(N // _TB,),
        in_specs=in_specs,
        out_specs=out_specs,
        out_shape=out_shape,
    )(*args)


def kernel(des, tweet, num_prop, cat_prop, edge_index, edge_type, Wd, bd, Wt, bt,
           Wi, bi, Wrel, Wroot, brgcn, Wo1, bo1, Wo2, bo2):
    x, xh0, xh1 = _tc_input(des, tweet, Wd, bd, Wt, bt, Wi, bi)

    src = edge_index[0]
    sidx = edge_index[1] + N * edge_type
    pad = EP - E
    gsrc = jnp.pad(src, (0, pad))
    sidx = jnp.pad(sidx, (0, pad), constant_values=2 * N)
    eidx = jnp.stack([gsrc.reshape(-1, CHUNK), sidx.reshape(-1, CHUNK)], axis=1)

    z2d = jnp.zeros((ROWS_PER_TILE, HALF), _f32)
    zc = jnp.zeros((ROWS_PER_TILE,), _f32)
    ones = jnp.ones((CHUNK,), _f32)

    sc_cnt = _make_sc_agg(True)
    sc_plain = _make_sc_agg(False)

    def pieces(agg):
        p = lambda c_, r_: lax.dynamic_slice_in_dim(agg, c_ * ACC + r_ * N, N)
        return p(0, 0), p(1, 0), p(0, 1), p(1, 1)

    W0 = Wrel[0].astype(jnp.bfloat16).astype(_f32)
    W1 = Wrel[1].astype(jnp.bfloat16).astype(_f32)
    Wo2p = jnp.pad(Wo2, ((0, 0), (0, EMB - 2)))
    bo2p = jnp.pad(bo2, (0, EMB - 2)).reshape(1, EMB)

    agg1, cnt = sc_cnt(xh0, xh1, eidx, z2d, zc, ones)
    c0 = cnt[:N].reshape(N, 1)
    c1 = cnt[N:2 * N].reshape(N, 1)
    p00, p10, p01, p11 = pieces(agg1)
    x1, y0, y1 = _tc_combine(x, p00, p10, p01, p11, c0, c1, Wroot, brgcn, W0, W1, None)

    (agg2,) = sc_plain(y0, y1, eidx, z2d, zc, ones)
    q00, q10, q01, q11 = pieces(agg2)
    out = _tc_combine(x1, q00, q10, q01, q11, c0, c1, Wroot, brgcn, W0, W1,
                      (Wo1, bo1, Wo2p, bo2p))
    return out[:, :2]

# --- scband reference (transcript-rebuilt; emitter-appended) ---
"""Pipeline reference for scband-bot-rgcn12-5531917877301 (READ-ONLY COPY).

The authoritative reference and input builder live on the scoring server;
editing this copy changes nothing except your own understanding.
"""

import jax, jax.numpy as jnp
import numpy as np

N = 10000
E = 320000
D_DES = 768
D_TW = 768
EMB = 128
HALF = EMB // 2
NUM_REL = 2


def setup_inputs(seed: int = 0):
    key = jax.random.key(seed)
    ks = jax.random.split(key, 20)
    s = 0.02
    inp = {}
    inp["des"] = jax.random.normal(ks[0], (N, D_DES), dtype=jnp.float32)
    inp["tweet"] = jax.random.normal(ks[1], (N, D_TW), dtype=jnp.float32)
    inp["num_prop"] = jax.random.normal(ks[2], (N, 6), dtype=jnp.float32)
    inp["cat_prop"] = jax.random.normal(ks[3], (N, 11), dtype=jnp.float32)
    inp["edge_index"] = jax.random.randint(ks[4], (2, E), 0, N, dtype=jnp.int32)
    inp["edge_type"] = jax.random.randint(ks[5], (E,), 0, NUM_REL, dtype=jnp.int32)
    inp["Wd"] = jax.random.normal(ks[6], (D_DES, HALF), dtype=jnp.float32) * s
    inp["bd"] = jnp.zeros((HALF,), dtype=jnp.float32)
    inp["Wt"] = jax.random.normal(ks[7], (D_TW, HALF), dtype=jnp.float32) * s
    inp["bt"] = jnp.zeros((HALF,), dtype=jnp.float32)
    inp["Wi"] = jax.random.normal(ks[8], (EMB, EMB), dtype=jnp.float32) * s
    inp["bi"] = jnp.zeros((EMB,), dtype=jnp.float32)
    inp["Wrel"] = jax.random.normal(ks[9], (NUM_REL, EMB, EMB), dtype=jnp.float32) * s
    inp["Wroot"] = jax.random.normal(ks[10], (EMB, EMB), dtype=jnp.float32) * s
    inp["brgcn"] = jnp.zeros((EMB,), dtype=jnp.float32)
    inp["Wo1"] = jax.random.normal(ks[11], (EMB, EMB), dtype=jnp.float32) * s
    inp["bo1"] = jnp.zeros((EMB,), dtype=jnp.float32)
    inp["Wo2"] = jax.random.normal(ks[12], (EMB, 2), dtype=jnp.float32) * s
    inp["bo2"] = jnp.zeros((2,), dtype=jnp.float32)
    return inp


def _leaky(x):
    return jax.nn.leaky_relu(x, negative_slope=0.01)


def _rgcn_conv(x, edge_index, edge_type, Wrel, Wroot, b):
    # PyG RGCNConv with aggr='mean' per relation + root transform + bias
    src = edge_index[0]
    dst = edge_index[1]
    n = x.shape[0]
    out = x @ Wroot + b
    for r in range(NUM_REL):
        mask = (edge_type == r).astype(x.dtype)
        msg = (jnp.take(x, src, axis=0) @ Wrel[r]) * mask[:, None]
        summed = jnp.zeros((n, Wrel.shape[2]), dtype=x.dtype).at[dst].add(msg)
        cnt = jnp.zeros((n,), dtype=x.dtype).at[dst].add(mask)
        out = out + summed / jnp.maximum(cnt, 1.0)[:, None]
    return out


def reference(des, tweet, num_prop, cat_prop, edge_index, edge_type, Wd, bd, Wt, bt, Wi, bi, Wrel, Wroot, brgcn, Wo1, bo1, Wo2, bo2):
    d = _leaky(des @ Wd + bd)
    t = _leaky(tweet @ Wt + bt)
    x = jnp.concatenate([d, t], axis=1)
    x = _leaky(x @ Wi + bi)
    x = _rgcn_conv(x, edge_index, edge_type, Wrel, Wroot, brgcn)
    # dropout is identity in eval mode
    x = _rgcn_conv(x, edge_index, edge_type, Wrel, Wroot, brgcn)
    x = _leaky(x @ Wo1 + bo1)
    x = x @ Wo2 + bo2
    return x

if __name__ == "__main__":
    import jax
    _d = setup_inputs()
    print(jax.jit(kernel)(*tuple(_d.values())))

</pallas_src>

<mosaic_0001>
#map = affine_map<(d0, d1) -> (0, 0)>
#map1 = affine_map<(d0, d1) -> (0, 0, 0)>
#map2 = affine_map<(d0, d1) -> (0)>
module attributes {stable_mosaic.version = 14 : i64} {
  func.func @body(%arg0: i32, %arg1: i32, %arg2: memref<10000x64xf32, #tpu.memory_space<hbm>>, %arg3: memref<10000x64xf32, #tpu.memory_space<hbm>>, %arg4: memref<5024x2x64xi32, #tpu.memory_space<hbm>>, %arg5: memref<1256x64xf32, #tpu.memory_space<hbm>>, %arg6: memref<1256xf32, #tpu.memory_space<hbm>>, %arg7: memref<64xf32, #tpu.memory_space<hbm>>, %arg8: memref<40192x64xf32, #tpu.memory_space<hbm>>, %arg9: memref<2x64xi32, #tpu.memory_space<vmem>>, %arg10: memref<2x64xi32, #tpu.memory_space<vmem>>, %arg11: memref<64xi32, #tpu.memory_space<vmem>>, %arg12: memref<64xi32, #tpu.memory_space<vmem>>, %arg13: memref<64xi32, #tpu.memory_space<vmem>>, %arg14: memref<64xi32, #tpu.memory_space<vmem>>, %arg15: memref<64x64xf32, #tpu.memory_space<vmem>>, %arg16: memref<64x64xf32, #tpu.memory_space<vmem>>, %arg17: memref<64xf32, #tpu.memory_space<vmem>>, %arg18: memref<20096x64xf32, #tpu.memory_space<vmem_shared>>, %arg19: memref<20096xf32, #tpu.memory_space<vmem_shared>>, %arg20: memref<10000x64xf32, #tpu.memory_space<vmem_shared>>, %arg21: memref<!tpu.dma_semaphore, #tpu.memory_space<semaphore_mem>>, %arg22: memref<!tpu.dma_semaphore, #tpu.memory_space<semaphore_mem>>, %arg23: memref<!tpu.dma_semaphore, #tpu.memory_space<semaphore_mem>>, %arg24: memref<!tpu.dma_semaphore, #tpu.memory_space<semaphore_mem>>) attributes {dimension_semantics = [#tpu.dimension_semantics<core_parallel>, #tpu.dimension_semantics<subcore_parallel>], iteration_bounds = array<i64: 2, 16>, scalar_prefetch = 0 : i64, scratch_operands = 16 : i64, tpu.core_type = #tpu.core_type<sc_vector_subcore>, window_params = [{transform_indices = #map}, {transform_indices = #map}, {transform_indices = #map1}, {transform_indices = #map}, {transform_indices = #map2}, {transform_indices = #map2}, {transform_indices = #map}]} {
    %mul3A = arith.constant 1256 : i32
    %mul3A_0 = arith.muli %arg1, %mul3A : i32
    %mul3A_1 = arith.constant 625 : i32
    %mul3A_2 = arith.muli %arg1, %mul3A_1 : i32
    %eq3A = arith.constant 0 : i32
    %eq3A_3 = arith.cmpi eq, %arg0, %eq3A : i32
    %convert_element_type3A = arith.extui %eq3A_3 : i1 to i32
    %cond3A = arith.constant 0 : i32
    %cond3A_4 = arith.cmpi ne, %convert_element_type3A, %cond3A : i32
    scf.if %cond3A_4 {
      %dma_start3A_58 = arith.constant 0 : i32
      %dma_start3A_59 = tpu.memref_slice %arg20[%mul3A_2, %dma_start3A_58] : memref<10000x64xf32, #tpu.memory_space<vmem_shared>> -> memref<625x64xf32, #tpu.memory_space<vmem_shared>>
      %dma_start3A_60 = arith.constant 0 : i32
      %dma_start3A_61 = tpu.memref_slice %arg2[%mul3A_2, %dma_start3A_60] : memref<10000x64xf32, #tpu.memory_space<hbm>> -> memref<625x64xf32, #tpu.memory_space<hbm>>
      tpu.enqueue_dma source(%dma_start3A_61 : memref<625x64xf32, #tpu.memory_space<hbm>>) target(%dma_start3A_59 : memref<625x64xf32, #tpu.memory_space<vmem_shared>>) target_semaphore(%arg21 : memref<!tpu.dma_semaphore, #tpu.memory_space<semaphore_mem>>)
    } else {
    }
    %eq3A_5 = arith.constant 1 : i32
    %eq3A_6 = arith.cmpi eq, %arg0, %eq3A_5 : i32
    %convert_element_type3A_7 = arith.extui %eq3A_6 : i1 to i32
    %cond3A_8 = arith.constant 0 : i32
    %cond3A_9 = arith.cmpi ne, %convert_element_type3A_7, %cond3A_8 : i32
    scf.if %cond3A_9 {
      %dma_start3A_58 = arith.constant 0 : i32
      %dma_start3A_59 = tpu.memref_slice %arg20[%mul3A_2, %dma_start3A_58] : memref<10000x64xf32, #tpu.memory_space<vmem_shared>> -> memref<625x64xf32, #tpu.memory_space<vmem_shared>>
      %dma_start3A_60 = arith.constant 0 : i32
      %dma_start3A_61 = tpu.memref_slice %arg3[%mul3A_2, %dma_start3A_60] : memref<10000x64xf32, #tpu.memory_space<hbm>> -> memref<625x64xf32, #tpu.memory_space<hbm>>
      tpu.enqueue_dma source(%dma_start3A_61 : memref<625x64xf32, #tpu.memory_space<hbm>>) target(%dma_start3A_59 : memref<625x64xf32, #tpu.memory_space<vmem_shared>>) target_semaphore(%arg21 : memref<!tpu.dma_semaphore, #tpu.memory_space<semaphore_mem>>)
    } else {
    }
    %dma_start3A = arith.constant 0 : i32
    %dma_start3A_10 = tpu.memref_slice %arg18[%mul3A_0, %dma_start3A] : memref<20096x64xf32, #tpu.memory_space<vmem_shared>> -> memref<1256x64xf32, #tpu.memory_space<vmem_shared>>
    tpu.enqueue_dma source(%arg5 : memref<1256x64xf32, #tpu.memory_space<hbm>>) target(%dma_start3A_10 : memref<1256x64xf32, #tpu.memory_space<vmem_shared>>) target_semaphore(%arg21 : memref<!tpu.dma_semaphore, #tpu.memory_space<semaphore_mem>>)
    %eq3A_11 = arith.constant 0 : i32
    %eq3A_12 = arith.cmpi eq, %arg0, %eq3A_11 : i32
    %convert_element_type3A_13 = arith.extui %eq3A_12 : i1 to i32
    %cond3A_14 = arith.constant 0 : i32
    %cond3A_15 = arith.cmpi ne, %convert_element_type3A_13, %cond3A_14 : i32
    scf.if %cond3A_15 {
      %dma_wait3A_58 = arith.constant 0 : i32
      %dma_wait3A_59 = tpu.memref_slice %arg20[%mul3A_2, %dma_wait3A_58] : memref<10000x64xf32, #tpu.memory_space<vmem_shared>> -> memref<625x64xf32, #tpu.memory_space<vmem_shared>>
      %dma_wait3A_60 = arith.constant 0 : i32
      %dma_wait3A_61 = tpu.memref_slice %arg2[%mul3A_2, %dma_wait3A_60] : memref<10000x64xf32, #tpu.memory_space<hbm>> -> memref<625x64xf32, #tpu.memory_space<hbm>>
      tpu.wait_dma2 semaphore(%arg21 : memref<!tpu.dma_semaphore, #tpu.memory_space<semaphore_mem>>) src(%dma_wait3A_61 : memref<625x64xf32, #tpu.memory_space<hbm>>) dst(%dma_wait3A_59 : memref<625x64xf32, #tpu.memory_space<vmem_shared>>)
    } else {
    }
    %eq3A_16 = arith.constant 1 : i32
    %eq3A_17 = arith.cmpi eq, %arg0, %eq3A_16 : i32
    %convert_element_type3A_18 = arith.extui %eq3A_17 : i1 to i32
    %cond3A_19 = arith.constant 0 : i32
    %cond3A_20 = arith.cmpi ne, %convert_element_type3A_18, %cond3A_19 : i32
    scf.if %cond3A_20 {
      %dma_wait3A_58 = arith.constant 0 : i32
      %dma_wait3A_59 = tpu.memref_slice %arg20[%mul3A_2, %dma_wait3A_58] : memref<10000x64xf32, #tpu.memory_space<vmem_shared>> -> memref<625x64xf32, #tpu.memory_space<vmem_shared>>
      %dma_wait3A_60 = arith.constant 0 : i32
      %dma_wait3A_61 = tpu.memref_slice %arg3[%mul3A_2, %dma_wait3A_60] : memref<10000x64xf32, #tpu.memory_space<hbm>> -> memref<625x64xf32, #tpu.memory_space<hbm>>
      tpu.wait_dma2 semaphore(%arg21 : memref<!tpu.dma_semaphore, #tpu.memory_space<semaphore_mem>>) src(%dma_wait3A_61 : memref<625x64xf32, #tpu.memory_space<hbm>>) dst(%dma_wait3A_59 : memref<625x64xf32, #tpu.memory_space<vmem_shared>>)
    } else {
    }
    %dma_wait3A = arith.constant 0 : i32
    %dma_wait3A_21 = tpu.memref_slice %arg18[%mul3A_0, %dma_wait3A] : memref<20096x64xf32, #tpu.memory_space<vmem_shared>> -> memref<1256x64xf32, #tpu.memory_space<vmem_shared>>
    tpu.wait_dma2 semaphore(%arg21 : memref<!tpu.dma_semaphore, #tpu.memory_space<semaphore_mem>>) src(%arg5 : memref<1256x64xf32, #tpu.memory_space<hbm>>) dst(%dma_wait3A_21 : memref<1256x64xf32, #tpu.memory_space<vmem_shared>>)
    %barrier3A = arith.constant 0 : index
    tpu.barrier barrier_id(%barrier3A)
    %mul3A_22 = arith.constant 314 : i32
    %mul3A_23 = arith.muli %arg1, %mul3A_22 : i32
    %add3A = arith.constant 0 : i32
    %add3A_24 = arith.addi %mul3A_23, %add3A : i32
    %dma_start3A_25 = arith.constant 0 : i32
    %dma_start3A_26 = arith.constant 0 : i32
    %dma_start3A_27 = tpu.memref_slice %arg4[%add3A_24, %dma_start3A_25, %dma_start3A_26] : memref<5024x2x64xi32, #tpu.memory_space<hbm>> -> memref<1x2x64xi32, #tpu.memory_space<hbm>>
    %dma_start3A_28 = tpu.memref_squeeze %dma_start3A_27 : memref<1x2x64xi32, #tpu.memory_space<hbm>> -> memref<2x64xi32, #tpu.memory_space<hbm>>
    %dma_start3A_29 = arith.constant 0 : i32
    %dma_start3A_30 = arith.constant 0 : i32
    %dma_start3A_31 = tpu.memref_slice %arg4[%add3A_24, %dma_start3A_29, %dma_start3A_30] : memref<5024x2x64xi32, #tpu.memory_space<hbm>> -> memref<1x2x64xi32, #tpu.memory_space<hbm>>
    %dma_start3A_32 = tpu.memref_squeeze %dma_start3A_31 : memref<1x2x64xi32, #tpu.memory_space<hbm>> -> memref<2x64xi32, #tpu.memory_space<hbm>>
    tpu.enqueue_dma source(%dma_start3A_32 : memref<2x64xi32, #tpu.memory_space<hbm>>) target(%arg9 : memref<2x64xi32, #tpu.memory_space<vmem>>) target_semaphore(%arg21 : memref<!tpu.dma_semaphore, #tpu.memory_space<semaphore_mem>>)
    %add3A_33 = arith.constant 1 : i32
    %add3A_34 = arith.addi %mul3A_23, %add3A_33 : i32
    %dma_start3A_35 = arith.constant 0 : i32
    %dma_start3A_36 = arith.constant 0 : i32
    %dma_start3A_37 = tpu.memref_slice %arg4[%add3A_34, %dma_start3A_35, %dma_start3A_36] : memref<5024x2x64xi32, #tpu.memory_space<hbm>> -> memref<1x2x64xi32, #tpu.memory_space<hbm>>
    %dma_start3A_38 = tpu.memref_squeeze %dma_start3A_37 : memref<1x2x64xi32, #tpu.memory_space<hbm>> -> memref<2x64xi32, #tpu.memory_space<hbm>>
    %dma_start3A_39 = arith.constant 0 : i32
    %dma_start3A_40 = arith.constant 0 : i32
    %dma_start3A_41 = tpu.memref_slice %arg4[%add3A_34, %dma_start3A_39, %dma_start3A_40] : memref<5024x2x64xi32, #tpu.memory_space<hbm>> -> memref<1x2x64xi32, #tpu.memory_space<hbm>>
    %dma_start3A_42 = tpu.memref_squeeze %dma_start3A_41 : memref<1x2x64xi32, #tpu.memory_space<hbm>> -> memref<2x64xi32, #tpu.memory_space<hbm>>
    tpu.enqueue_dma source(%dma_start3A_42 : memref<2x64xi32, #tpu.memory_space<hbm>>) target(%arg10 : memref<2x64xi32, #tpu.memory_space<vmem>>) target_semaphore(%arg21 : memref<!tpu.dma_semaphore, #tpu.memory_space<semaphore_mem>>)
    %scan3A = arith.constant 0 : i32
    %scan3A_43 = arith.constant 0 : i32
    %scan3A_44 = arith.constant 157 : i32
    %scan3A_45 = arith.addi %scan3A_43, %scan3A_44 : i32
    %scan3A_46 = arith.constant 1 : i32
    scf.for %scan3A_58 = %scan3A_43 to %scan3A_45 step %scan3A_46  : i32 {
      %mul3A_59 = arith.constant 2 : i32
      %mul3A_60 = arith.muli %scan3A_58, %mul3A_59 : i32
      %add3A_61 = arith.addi %mul3A_23, %mul3A_60 : i32
      %add3A_62 = arith.constant 0 : i32
      %add3A_63 = arith.addi %add3A_61, %add3A_62 : i32
      %gt3A = arith.constant 0 : i32
      %gt3A_64 = arith.cmpi sgt, %scan3A_58, %gt3A : i32
      %convert_element_type3A_65 = arith.extui %gt3A_64 : i1 to i32
      %cond3A_66 = arith.constant 0 : i32
      %cond3A_67 = arith.cmpi ne, %convert_element_type3A_65, %cond3A_66 : i32
      scf.if %cond3A_67 {
        %dma_wait3A_261 = arith.constant 0 : i32
        %dma_wait3A_262 = arith.constant 0 : i32
        %dma_wait3A_263 = tpu.memref_slice %arg18[%dma_wait3A_261, %dma_wait3A_262] : memref<20096x64xf32, #tpu.memory_space<vmem_shared>> -> memref<20096x64xf32, #tpu.memory_space<vmem_shared>>
        tpu.wait_indirect_dma semaphore(%arg23 : memref<!tpu.dma_semaphore, #tpu.memory_space<semaphore_mem>>) src(%arg15 : memref<64x64xf32, #tpu.memory_space<vmem>>) dst(%dma_wait3A_263 : memref<20096x64xf32, #tpu.memory_space<vmem_shared>>)
      } else {
      }
      %dma_wait3A_68 = arith.constant 0 : i32
      %dma_wait3A_69 = arith.constant 0 : i32
      %dma_wait3A_70 = tpu.memref_slice %arg4[%add3A_63, %dma_wait3A_68, %dma_wait3A_69] : memref<5024x2x64xi32, #tpu.memory_space<hbm>> -> memref<1x2x64xi32, #tpu.memory_space<hbm>>
      %dma_wait3A_71 = tpu.memref_squeeze %dma_wait3A_70 : memref<1x2x64xi32, #tpu.memory_space<hbm>> -> memref<2x64xi32, #tpu.memory_space<hbm>>
      %dma_wait3A_72 = arith.constant 0 : i32
      %dma_wait3A_73 = arith.constant 0 : i32
      %dma_wait3A_74 = tpu.memref_slice %arg4[%add3A_63, %dma_wait3A_72, %dma_wait3A_73] : memref<5024x2x64xi32, #tpu.memory_space<hbm>> -> memref<1x2x64xi32, #tpu.memory_space<hbm>>
      %dma_wait3A_75 = tpu.memref_squeeze %dma_wait3A_74 : memref<1x2x64xi32, #tpu.memory_space<hbm>> -> memref<2x64xi32, #tpu.memory_space<hbm>>
      tpu.wait_dma2 semaphore(%arg21 : memref<!tpu.dma_semaphore, #tpu.memory_space<semaphore_mem>>) src(%dma_wait3A_75 : memref<2x64xi32, #tpu.memory_space<hbm>>) dst(%arg9 : memref<2x64xi32, #tpu.memory_space<vmem>>)
      %get3A = arith.constant 0 : i32
      %get3A_76 = arith.index_cast %get3A : i32 to index
      %get3A_77 = arith.constant 0 : index
      %get3A_78 = tpu.vector_load %arg9[%get3A_76, %get3A_77] {strides = array<i32>} : memref<2x64xi32, #tpu.memory_space<vmem>>, vector<1x16xi32>,
      %get3A_79 = vector.shape_cast %get3A_78 : vector<1x16xi32> to vector<16xi32>
      %swap3A = arith.constant 0 : index
      %swap3A_80 = tpu.vector_load %arg11[%swap3A] {strides = array<i32>} : memref<64xi32, #tpu.memory_space<vmem>>, vector<16xi32>,
      %swap3A_81 = vector.shape_cast %swap3A_80 : vector<16xi32> to vector<16xi32>
      %swap3A_82 = vector.shape_cast %get3A_79 : vector<16xi32> to vector<16xi32>
      tpu.vector_store %arg11[%swap3A], %swap3A_82 {strides = array<i32>} : memref<64xi32, #tpu.memory_space<vmem>>, vector<16xi32>,
      %get3A_83 = arith.constant 1 : i32
      %get3A_84 = arith.index_cast %get3A_83 : i32 to index
      %get3A_85 = arith.constant 0 : index
      %get3A_86 = tpu.vector_load %arg9[%get3A_84, %get3A_85] {strides = array<i32>} : memref<2x64xi32, #tpu.memory_space<vmem>>, vector<1x16xi32>,
      %get3A_87 = vector.shape_cast %get3A_86 : vector<1x16xi32> to vector<16xi32>
      %swap3A_88 = arith.constant 0 : index
      %swap3A_89 = tpu.vector_load %arg13[%swap3A_88] {strides = array<i32>} : memref<64xi32, #tpu.memory_space<vmem>>, vector<16xi32>,
      %swap3A_90 = vector.shape_cast %swap3A_89 : vector<16xi32> to vector<16xi32>
      %swap3A_91 = vector.shape_cast %get3A_87 : vector<16xi32> to vector<16xi32>
      tpu.vector_store %arg13[%swap3A_88], %swap3A_91 {strides = array<i32>} : memref<64xi32, #tpu.memory_space<vmem>>, vector<16xi32>,
      %get3A_92 = arith.constant 0 : i32
      %get3A_93 = arith.index_cast %get3A_92 : i32 to index
      %get3A_94 = arith.constant 16 : index
      %get3A_95 = tpu.vector_load %arg9[%get3A_93, %get3A_94] {strides = array<i32>} : memref<2x64xi32, #tpu.memory_space<vmem>>, vector<1x16xi32>,
      %get3A_96 = vector.shape_cast %get3A_95 : vector<1x16xi32> to vector<16xi32>
      %swap3A_97 = arith.constant 16 : index
      %swap3A_98 = tpu.vector_load %arg11[%swap3A_97] {strides = array<i32>} : memref<64xi32, #tpu.memory_space<vmem>>, vector<16xi32>,
      %swap3A_99 = vector.shape_cast %swap3A_98 : vector<16xi32> to vector<16xi32>
      %swap3A_100 = vector.shape_cast %get3A_96 : vector<16xi32> to vector<16xi32>
      tpu.vector_store %arg11[%swap3A_97], %swap3A_100 {strides = array<i32>} : memref<64xi32, #tpu.memory_space<vmem>>, vector<16xi32>,
      %get3A_101 = arith.constant 1 : i32
      %get3A_102 = arith.index_cast %get3A_101 : i32 to index
      %get3A_103 = arith.constant 16 : index
      %get3A_104 = tpu.vector_load %arg9[%get3A_102, %get3A_103] {strides = array<i32>} : memref<2x64xi32, #tpu.memory_space<vmem>>, vector<1x16xi32>,
      %get3A_105 = vector.shape_cast %get3A_104 : vector<1x16xi32> to vector<16xi32>
      %swap3A_106 = arith.constant 16 : index
      %swap3A_107 = tpu.vector_load %arg13[%swap3A_106] {strides = array<i32>} : memref<64xi32, #tpu.memory_space<vmem>>, vector<16xi32>,
      %swap3A_108 = vector.shape_cast %swap3A_107 : vector<16xi32> to vector<16xi32>
      %swap3A_109 = vector.shape_cast %get3A_105 : vector<16xi32> to vector<16xi32>
      tpu.vector_store %arg13[%swap3A_106], %swap3A_109 {strides = array<i32>} : memref<64xi32, #tpu.memory_space<vmem>>, vector<16xi32>,
      %get3A_110 = arith.constant 0 : i32
      %get3A_111 = arith.index_cast %get3A_110 : i32 to index
      %get3A_112 = arith.constant 32 : index
      %get3A_113 = tpu.vector_load %arg9[%get3A_111, %get3A_112] {strides = array<i32>} : memref<2x64xi32, #tpu.memory_space<vmem>>, vector<1x16xi32>,
      %get3A_114 = vector.shape_cast %get3A_113 : vector<1x16xi32> to vector<16xi32>
      %swap3A_115 = arith.constant 32 : index
      %swap3A_116 = tpu.vector_load %arg11[%swap3A_115] {strides = array<i32>} : memref<64xi32, #tpu.memory_space<vmem>>, vector<16xi32>,
      %swap3A_117 = vector.shape_cast %swap3A_116 : vector<16xi32> to vector<16xi32>
      %swap3A_118 = vector.shape_cast %get3A_114 : vector<16xi32> to vector<16xi32>
      tpu.vector_store %arg11[%swap3A_115], %swap3A_118 {strides = array<i32>} : memref<64xi32, #tpu.memory_space<vmem>>, vector<16xi32>,
      %get3A_119 = arith.constant 1 : i32
      %get3A_120 = arith.index_cast %get3A_119 : i32 to index
      %get3A_121 = arith.constant 32 : index
      %get3A_122 = tpu.vector_load %arg9[%get3A_120, %get3A_121] {strides = array<i32>} : memref<2x64xi32, #tpu.memory_space<vmem>>, vector<1x16xi32>,
      %get3A_123 = vector.shape_cast %get3A_122 : vector<1x16xi32> to vector<16xi32>
      %swap3A_124 = arith.constant 32 : index
      %swap3A_125 = tpu.vector_load %arg13[%swap3A_124] {strides = array<i32>} : memref<64xi32, #tpu.memory_space<vmem>>, vector<16xi32>,
      %swap3A_126 = vector.shape_cast %swap3A_125 : vector<16xi32> to vector<16xi32>
      %swap3A_127 = vector.shape_cast %get3A_123 : vector<16xi32> to vector<16xi32>
      tpu.vector_store %arg13[%swap3A_124], %swap3A_127 {strides = array<i32>} : memref<64xi32, #tpu.memory_space<vmem>>, vector<16xi32>,
      %get3A_128 = arith.constant 0 : i32
      %get3A_129 = arith.index_cast %get3A_128 : i32 to index
      %get3A_130 = arith.constant 48 : index
      %get3A_131 = tpu.vector_load %arg9[%get3A_129, %get3A_130] {strides = array<i32>} : memref<2x64xi32, #tpu.memory_space<vmem>>, vector<1x16xi32>,
      %get3A_132 = vector.shape_cast %get3A_131 : vector<1x16xi32> to vector<16xi32>
      %swap3A_133 = arith.constant 48 : index
      %swap3A_134 = tpu.vector_load %arg11[%swap3A_133] {strides = array<i32>} : memref<64xi32, #tpu.memory_space<vmem>>, vector<16xi32>,
      %swap3A_135 = vector.shape_cast %swap3A_134 : vector<16xi32> to vector<16xi32>
      %swap3A_136 = vector.shape_cast %get3A_132 : vector<16xi32> to vector<16xi32>
      tpu.vector_store %arg11[%swap3A_133], %swap3A_136 {strides = array<i32>} : memref<64xi32, #tpu.memory_space<vmem>>, vector<16xi32>,
      %get3A_137 = arith.constant 1 : i32
      %get3A_138 = arith.index_cast %get3A_137 : i32 to index
      %get3A_139 = arith.constant 48 : index
      %get3A_140 = tpu.vector_load %arg9[%get3A_138, %get3A_139] {strides = array<i32>} : memref<2x64xi32, #tpu.memory_space<vmem>>, vector<1x16xi32>,
      %get3A_141 = vector.shape_cast %get3A_140 : vector<1x16xi32> to vector<16xi32>
      %swap3A_142 = arith.constant 48 : index
      %swap3A_143 = tpu.vector_load %arg13[%swap3A_142] {strides = array<i32>} : memref<64xi32, #tpu.memory_space<vmem>>, vector<16xi32>,
      %swap3A_144 = vector.shape_cast %swap3A_143 : vector<16xi32> to vector<16xi32>
      %swap3A_145 = vector.shape_cast %get3A_141 : vector<16xi32> to vector<16xi32>
      tpu.vector_store %arg13[%swap3A_142], %swap3A_145 {strides = array<i32>} : memref<64xi32, #tpu.memory_space<vmem>>, vector<16xi32>,
      %lt3A = arith.constant 156 : i32
      %lt3A_146 = arith.cmpi slt, %scan3A_58, %lt3A : i32
      %convert_element_type3A_147 = arith.extui %lt3A_146 : i1 to i32
      %cond3A_148 = arith.constant 0 : i32
      %cond3A_149 = arith.cmpi ne, %convert_element_type3A_147, %cond3A_148 : i32
      scf.if %cond3A_149 {
        %add3A_261 = arith.constant 2 : i32
        %add3A_262 = arith.addi %add3A_63, %add3A_261 : i32
        %dma_start3A_263 = arith.constant 0 : i32
        %dma_start3A_264 = arith.constant 0 : i32
        %dma_start3A_265 = tpu.memref_slice %arg4[%add3A_262, %dma_start3A_263, %dma_start3A_264] : memref<5024x2x64xi32, #tpu.memory_space<hbm>> -> memref<1x2x64xi32, #tpu.memory_space<hbm>>
        %dma_start3A_266 = tpu.memref_squeeze %dma_start3A_265 : memref<1x2x64xi32, #tpu.memory_space<hbm>> -> memref<2x64xi32, #tpu.memory_space<hbm>>
        %dma_start3A_267 = arith.constant 0 : i32
        %dma_start3A_268 = arith.constant 0 : i32
        %dma_start3A_269 = tpu.memref_slice %arg4[%add3A_262, %dma_start3A_267, %dma_start3A_268] : memref<5024x2x64xi32, #tpu.memory_space<hbm>> -> memref<1x2x64xi32, #tpu.memory_space<hbm>>
        %dma_start3A_270 = tpu.memref_squeeze %dma_start3A_269 : memref<1x2x64xi32, #tpu.memory_space<hbm>> -> memref<2x64xi32, #tpu.memory_space<hbm>>
        tpu.enqueue_dma source(%dma_start3A_270 : memref<2x64xi32, #tpu.memory_space<hbm>>) target(%arg9 : memref<2x64xi32, #tpu.memory_space<vmem>>) target_semaphore(%arg21 : memref<!tpu.dma_semaphore, #tpu.memory_space<semaphore_mem>>)
      } else {
      }
      %dma_start3A_150 = arith.constant 0 : i32
      %dma_start3A_151 = arith.constant 0 : i32
      %dma_start3A_152 = tpu.memref_slice %arg20[%dma_start3A_150, %dma_start3A_151] : memref<10000x64xf32, #tpu.memory_space<vmem_shared>> -> memref<10000x64xf32, #tpu.memory_space<vmem_shared>>
      tpu.enqueue_indirect_dma source(%dma_start3A_152 : memref<10000x64xf32, #tpu.memory_space<vmem_shared>>) target(%arg15 : memref<64x64xf32, #tpu.memory_space<vmem>>) offsets(%arg11 : memref<64xi32, #tpu.memory_space<vmem>>) semaphore(%arg22 : memref<!tpu.dma_semaphore, #tpu.memory_space<semaphore_mem>>)
      %add3A_153 = arith.addi %mul3A_23, %mul3A_60 : i32
      %add3A_154 = arith.constant 1 : i32
      %add3A_155 = arith.addi %add3A_153, %add3A_154 : i32
      %gt3A_156 = arith.constant 0 : i32
      %gt3A_157 = arith.cmpi sgt, %scan3A_58, %gt3A_156 : i32
      %convert_element_type3A_158 = arith.extui %gt3A_157 : i1 to i32
      %cond3A_159 = arith.constant 0 : i32
      %cond3A_160 = arith.cmpi ne, %convert_element_type3A_158, %cond3A_159 : i32
      scf.if %cond3A_160 {
        %dma_wait3A_261 = arith.constant 0 : i32
        %dma_wait3A_262 = arith.constant 0 : i32
        %dma_wait3A_263 = tpu.memref_slice %arg18[%dma_wait3A_261, %dma_wait3A_262] : memref<20096x64xf32, #tpu.memory_space<vmem_shared>> -> memref<20096x64xf32, #tpu.memory_space<vmem_shared>>
        tpu.wait_indirect_dma semaphore(%arg23 : memref<!tpu.dma_semaphore, #tpu.memory_space<semaphore_mem>>) src(%arg16 : memref<64x64xf32, #tpu.memory_space<vmem>>) dst(%dma_wait3A_263 : memref<20096x64xf32, #tpu.memory_space<vmem_shared>>)
      } else {
      }
      %dma_wait3A_161 = arith.constant 0 : i32
      %dma_wait3A_162 = arith.constant 0 : i32
      %dma_wait3A_163 = tpu.memref_slice %arg4[%add3A_155, %dma_wait3A_161, %dma_wait3A_162] : memref<5024x2x64xi32, #tpu.memory_space<hbm>> -> memref<1x2x64xi32, #tpu.memory_space<hbm>>
      %dma_wait3A_164 = tpu.memref_squeeze %dma_wait3A_163 : memref<1x2x64xi32, #tpu.memory_space<hbm>> -> memref<2x64xi32, #tpu.memory_space<hbm>>
      %dma_wait3A_165 = arith.constant 0 : i32
      %dma_wait3A_166 = arith.constant 0 : i32
      %dma_wait3A_167 = tpu.memref_slice %arg4[%add3A_155, %dma_wait3A_165, %dma_wait3A_166] : memref<5024x2x64xi32, #tpu.memory_space<hbm>> -> memref<1x2x64xi32, #tpu.memory_space<hbm>>
      %dma_wait3A_168 = tpu.memref_squeeze %dma_wait3A_167 : memref<1x2x64xi32, #tpu.memory_space<hbm>> -> memref<2x64xi32, #tpu.memory_space<hbm>>
      tpu.wait_dma2 semaphore(%arg21 : memref<!tpu.dma_semaphore, #tpu.memory_space<semaphore_mem>>) src(%dma_wait3A_168 : memref<2x64xi32, #tpu.memory_space<hbm>>) dst(%arg10 : memref<2x64xi32, #tpu.memory_space<vmem>>)
      %get3A_169 = arith.constant 0 : i32
      %get3A_170 = arith.index_cast %get3A_169 : i32 to index
      %get3A_171 = arith.constant 0 : index
      %get3A_172 = tpu.vector_load %arg10[%get3A_170, %get3A_171] {strides = array<i32>} : memref<2x64xi32, #tpu.memory_space<vmem>>, vector<1x16xi32>,
      %get3A_173 = vector.shape_cast %get3A_172 : vector<1x16xi32> to vector<16xi32>
      %swap3A_174 = arith.constant 0 : index
      %swap3A_175 = tpu.vector_load %arg12[%swap3A_174] {strides = array<i32>} : memref<64xi32, #tpu.memory_space<vmem>>, vector<16xi32>,
      %swap3A_176 = vector.shape_cast %swap3A_175 : vector<16xi32> to vector<16xi32>
      %swap3A_177 = vector.shape_cast %get3A_173 : vector<16xi32> to vector<16xi32>
      tpu.vector_store %arg12[%swap3A_174], %swap3A_177 {strides = array<i32>} : memref<64xi32, #tpu.memory_space<vmem>>, vector<16xi32>,
      %get3A_178 = arith.constant 1 : i32
      %get3A_179 = arith.index_cast %get3A_178 : i32 to index
      %get3A_180 = arith.constant 0 : index
      %get3A_181 = tpu.vector_load %arg10[%get3A_179, %get3A_180] {strides = array<i32>} : memref<2x64xi32, #tpu.memory_space<vmem>>, vector<1x16xi32>,
      %get3A_182 = vector.shape_cast %get3A_181 : vector<1x16xi32> to vector<16xi32>
      %swap3A_183 = arith.constant 0 : index
      %swap3A_184 = tpu.vector_load %arg14[%swap3A_183] {strides = array<i32>} : memref<64xi32, #tpu.memory_space<vmem>>, vector<16xi32>,
      %swap3A_185 = vector.shape_cast %swap3A_184 : vector<16xi32> to vector<16xi32>
      %swap3A_186 = vector.shape_cast %get3A_182 : vector<16xi32> to vector<16xi32>
      tpu.vector_store %arg14[%swap3A_183], %swap3A_186 {strides = array<i32>} : memref<64xi32, #tpu.memory_space<vmem>>, vector<16xi32>,
      %get3A_187 = arith.constant 0 : i32
      %get3A_188 = arith.index_cast %get3A_187 : i32 to index
      %get3A_189 = arith.constant 16 : index
      %get3A_190 = tpu.vector_load %arg10[%get3A_188, %get3A_189] {strides = array<i32>} : memref<2x64xi32, #tpu.memory_space<vmem>>, vector<1x16xi32>,
      %get3A_191 = vector.shape_cast %get3A_190 : vector<1x16xi32> to vector<16xi32>
      %swap3A_192 = arith.constant 16 : index
      %swap3A_193 = tpu.vector_load %arg12[%swap3A_192] {strides = array<i32>} : memref<64xi32, #tpu.memory_space<vmem>>, vector<16xi32>,
      %swap3A_194 = vector.shape_cast %swap3A_193 : vector<16xi32> to vector<16xi32>
      %swap3A_195 = vector.shape_cast %get3A_191 : vector<16xi32> to vector<16xi32>
      tpu.vector_store %arg12[%swap3A_192], %swap3A_195 {strides = array<i32>} : memref<64xi32, #tpu.memory_space<vmem>>, vector<16xi32>,
      %get3A_196 = arith.constant 1 : i32
      %get3A_197 = arith.index_cast %get3A_196 : i32 to index
      %get3A_198 = arith.constant 16 : index
      %get3A_199 = tpu.vector_load %arg10[%get3A_197, %get3A_198] {strides = array<i32>} : memref<2x64xi32, #tpu.memory_space<vmem>>, vector<1x16xi32>,
      %get3A_200 = vector.shape_cast %get3A_199 : vector<1x16xi32> to vector<16xi32>
      %swap3A_201 = arith.constant 16 : index
      %swap3A_202 = tpu.vector_load %arg14[%swap3A_201] {strides = array<i32>} : memref<64xi32, #tpu.memory_space<vmem>>, vector<16xi32>,
      %swap3A_203 = vector.shape_cast %swap3A_202 : vector<16xi32> to vector<16xi32>
      %swap3A_204 = vector.shape_cast %get3A_200 : vector<16xi32> to vector<16xi32>
      tpu.vector_store %arg14[%swap3A_201], %swap3A_204 {strides = array<i32>} : memref<64xi32, #tpu.memory_space<vmem>>, vector<16xi32>,
      %get3A_205 = arith.constant 0 : i32
      %get3A_206 = arith.index_cast %get3A_205 : i32 to index
      %get3A_207 = arith.constant 32 : index
      %get3A_208 = tpu.vector_load %arg10[%get3A_206, %get3A_207] {strides = array<i32>} : memref<2x64xi32, #tpu.memory_space<vmem>>, vector<1x16xi32>,
      %get3A_209 = vector.shape_cast %get3A_208 : vector<1x16xi32> to vector<16xi32>
      %swap3A_210 = arith.constant 32 : index
      %swap3A_211 = tpu.vector_load %arg12[%swap3A_210] {strides = array<i32>} : memref<64xi32, #tpu.memory_space<vmem>>, vector<16xi32>,
      %swap3A_212 = vector.shape_cast %swap3A_211 : vector<16xi32> to vector<16xi32>
      %swap3A_213 = vector.shape_cast %get3A_209 : vector<16xi32> to vector<16xi32>
      tpu.vector_store %arg12[%swap3A_210], %swap3A_213 {strides = array<i32>} : memref<64xi32, #tpu.memory_space<vmem>>, vector<16xi32>,
      %get3A_214 = arith.constant 1 : i32
      %get3A_215 = arith.index_cast %get3A_214 : i32 to index
      %get3A_216 = arith.constant 32 : index
      %get3A_217 = tpu.vector_load %arg10[%get3A_215, %get3A_216] {strides = array<i32>} : memref<2x64xi32, #tpu.memory_space<vmem>>, vector<1x16xi32>,
      %get3A_218 = vector.shape_cast %get3A_217 : vector<1x16xi32> to vector<16xi32>
      %swap3A_219 = arith.constant 32 : index
      %swap3A_220 = tpu.vector_load %arg14[%swap3A_219] {strides = array<i32>} : memref<64xi32, #tpu.memory_space<vmem>>, vector<16xi32>,
      %swap3A_221 = vector.shape_cast %swap3A_220 : vector<16xi32> to vector<16xi32>
      %swap3A_222 = vector.shape_cast %get3A_218 : vector<16xi32> to vector<16xi32>
      tpu.vector_store %arg14[%swap3A_219], %swap3A_222 {strides = array<i32>} : memref<64xi32, #tpu.memory_space<vmem>>, vector<16xi32>,
      %get3A_223 = arith.constant 0 : i32
      %get3A_224 = arith.index_cast %get3A_223 : i32 to index
      %get3A_225 = arith.constant 48 : index
      %get3A_226 = tpu.vector_load %arg10[%get3A_224, %get3A_225] {strides = array<i32>} : memref<2x64xi32, #tpu.memory_space<vmem>>, vector<1x16xi32>,
      %get3A_227 = vector.shape_cast %get3A_226 : vector<1x16xi32> to vector<16xi32>
      %swap3A_228 = arith.constant 48 : index
      %swap3A_229 = tpu.vector_load %arg12[%swap3A_228] {strides = array<i32>} : memref<64xi32, #tpu.memory_space<vmem>>, vector<16xi32>,
      %swap3A_230 = vector.shape_cast %swap3A_229 : vector<16xi32> to vector<16xi32>
      %swap3A_231 = vector.shape_cast %get3A_227 : vector<16xi32> to vector<16xi32>
      tpu.vector_store %arg12[%swap3A_228], %swap3A_231 {strides = array<i32>} : memref<64xi32, #tpu.memory_space<vmem>>, vector<16xi32>,
      %get3A_232 = arith.constant 1 : i32
      %get3A_233 = arith.index_cast %get3A_232 : i32 to index
      %get3A_234 = arith.constant 48 : index
      %get3A_235 = tpu.vector_load %arg10[%get3A_233, %get3A_234] {strides = array<i32>} : memref<2x64xi32, #tpu.memory_space<vmem>>, vector<1x16xi32>,
      %get3A_236 = vector.shape_cast %get3A_235 : vector<1x16xi32> to vector<16xi32>
      %swap3A_237 = arith.constant 48 : index
      %swap3A_238 = tpu.vector_load %arg14[%swap3A_237] {strides = array<i32>} : memref<64xi32, #tpu.memory_space<vmem>>, vector<16xi32>,
      %swap3A_239 = vector.shape_cast %swap3A_238 : vector<16xi32> to vector<16xi32>
      %swap3A_240 = vector.shape_cast %get3A_236 : vector<16xi32> to vector<16xi32>
      tpu.vector_store %arg14[%swap3A_237], %swap3A_240 {strides = array<i32>} : memref<64xi32, #tpu.memory_space<vmem>>, vector<16xi32>,
      %lt3A_241 = arith.constant 156 : i32
      %lt3A_242 = arith.cmpi slt, %scan3A_58, %lt3A_241 : i32
      %convert_element_type3A_243 = arith.extui %lt3A_242 : i1 to i32
      %cond3A_244 = arith.constant 0 : i32
      %cond3A_245 = arith.cmpi ne, %convert_element_type3A_243, %cond3A_244 : i32
      scf.if %cond3A_245 {
        %add3A_261 = arith.constant 2 : i32
        %add3A_262 = arith.addi %add3A_155, %add3A_261 : i32
        %dma_start3A_263 = arith.constant 0 : i32
        %dma_start3A_264 = arith.constant 0 : i32
        %dma_start3A_265 = tpu.memref_slice %arg4[%add3A_262, %dma_start3A_263, %dma_start3A_264] : memref<5024x2x64xi32, #tpu.memory_space<hbm>> -> memref<1x2x64xi32, #tpu.memory_space<hbm>>
        %dma_start3A_266 = tpu.memref_squeeze %dma_start3A_265 : memref<1x2x64xi32, #tpu.memory_space<hbm>> -> memref<2x64xi32, #tpu.memory_space<hbm>>
        %dma_start3A_267 = arith.constant 0 : i32
        %dma_start3A_268 = arith.constant 0 : i32
        %dma_start3A_269 = tpu.memref_slice %arg4[%add3A_262, %dma_start3A_267, %dma_start3A_268] : memref<5024x2x64xi32, #tpu.memory_space<hbm>> -> memref<1x2x64xi32, #tpu.memory_space<hbm>>
        %dma_start3A_270 = tpu.memref_squeeze %dma_start3A_269 : memref<1x2x64xi32, #tpu.memory_space<hbm>> -> memref<2x64xi32, #tpu.memory_space<hbm>>
        tpu.enqueue_dma source(%dma_start3A_270 : memref<2x64xi32, #tpu.memory_space<hbm>>) target(%arg10 : memref<2x64xi32, #tpu.memory_space<vmem>>) target_semaphore(%arg21 : memref<!tpu.dma_semaphore, #tpu.memory_space<semaphore_mem>>)
      } else {
      }
      %dma_start3A_246 = arith.constant 0 : i32
      %dma_start3A_247 = arith.constant 0 : i32
      %dma_start3A_248 = tpu.memref_slice %arg20[%dma_start3A_246, %dma_start3A_247] : memref<10000x64xf32, #tpu.memory_space<vmem_shared>> -> memref<10000x64xf32, #tpu.memory_space<vmem_shared>>
      tpu.enqueue_indirect_dma source(%dma_start3A_248 : memref<10000x64xf32, #tpu.memory_space<vmem_shared>>) target(%arg16 : memref<64x64xf32, #tpu.memory_space<vmem>>) offsets(%arg12 : memref<64xi32, #tpu.memory_space<vmem>>) semaphore(%arg22 : memref<!tpu.dma_semaphore, #tpu.memory_space<semaphore_mem>>)
      %dma_wait3A_249 = arith.constant 0 : i32
      %dma_wait3A_250 = arith.constant 0 : i32
      %dma_wait3A_251 = tpu.memref_slice %arg20[%dma_wait3A_249, %dma_wait3A_250] : memref<10000x64xf32, #tpu.memory_space<vmem_shared>> -> memref<10000x64xf32, #tpu.memory_space<vmem_shared>>
      tpu.wait_indirect_dma semaphore(%arg22 : memref<!tpu.dma_semaphore, #tpu.memory_space<semaphore_mem>>) src(%dma_wait3A_251 : memref<10000x64xf32, #tpu.memory_space<vmem_shared>>) dst(%arg15 : memref<64x64xf32, #tpu.memory_space<vmem>>)
      %dma_start3A_252 = arith.constant 0 : i32
      %dma_start3A_253 = arith.constant 0 : i32
      %dma_start3A_254 = tpu.memref_slice %arg18[%dma_start3A_252, %dma_start3A_253] : memref<20096x64xf32, #tpu.memory_space<vmem_shared>> -> memref<20096x64xf32, #tpu.memory_space<vmem_shared>>
      tpu.enqueue_indirect_dma source(%arg15 : memref<64x64xf32, #tpu.memory_space<vmem>>) target(%dma_start3A_254 : memref<20096x64xf32, #tpu.memory_space<vmem_shared>>) offsets(%arg13 : memref<64xi32, #tpu.memory_space<vmem>>) semaphore(%arg23 : memref<!tpu.dma_semaphore, #tpu.memory_space<semaphore_mem>>) {add = true}
      %dma_wait3A_255 = arith.constant 0 : i32
      %dma_wait3A_256 = arith.constant 0 : i32
      %dma_wait3A_257 = tpu.memref_slice %arg20[%dma_wait3A_255, %dma_wait3A_256] : memref<10000x64xf32, #tpu.memory_space<vmem_shared>> -> memref<10000x64xf32, #tpu.memory_space<vmem_shared>>
      tpu.wait_indirect_dma semaphore(%arg22 : memref<!tpu.dma_semaphore, #tpu.memory_space<semaphore_mem>>) src(%dma_wait3A_257 : memref<10000x64xf32, #tpu.memory_space<vmem_shared>>) dst(%arg16 : memref<64x64xf32, #tpu.memory_space<vmem>>)
      %dma_start3A_258 = arith.constant 0 : i32
      %dma_start3A_259 = arith.constant 0 : i32
      %dma_start3A_260 = tpu.memref_slice %arg18[%dma_start3A_258, %dma_start3A_259] : memref<20096x64xf32, #tpu.memory_space<vmem_shared>> -> memref<20096x64xf32, #tpu.memory_space<vmem_shared>>
      tpu.enqueue_indirect_dma source(%arg16 : memref<64x64xf32, #tpu.memory_space<vmem>>) target(%dma_start3A_260 : memref<20096x64xf32, #tpu.memory_space<vmem_shared>>) offsets(%arg14 : memref<64xi32, #tpu.memory_space<vmem>>) semaphore(%arg23 : memref<!tpu.dma_semaphore, #tpu.memory_space<semaphore_mem>>) {add = true}
    }
    %scan3A_47 = arith.constant 157 : i32
    %dma_wait3A_48 = arith.constant 0 : i32
    %dma_wait3A_49 = arith.constant 0 : i32
    %dma_wait3A_50 = tpu.memref_slice %arg18[%dma_wait3A_48, %dma_wait3A_49] : memref<20096x64xf32, #tpu.memory_space<vmem_shared>> -> memref<20096x64xf32, #tpu.memory_space<vmem_shared>>
    tpu.wait_indirect_dma semaphore(%arg23 : memref<!tpu.dma_semaphore, #tpu.memory_space<semaphore_mem>>) src(%arg15 : memref<64x64xf32, #tpu.memory_space<vmem>>) dst(%dma_wait3A_50 : memref<20096x64xf32, #tpu.memory_space<vmem_shared>>)
    %dma_wait3A_51 = arith.constant 0 : i32
    %dma_wait3A_52 = arith.constant 0 : i32
    %dma_wait3A_53 = tpu.memref_slice %arg18[%dma_wait3A_51, %dma_wait3A_52] : memref<20096x64xf32, #tpu.memory_space<vmem_shared>> -> memref<20096x64xf32, #tpu.memory_space<vmem_shared>>
    tpu.wait_indirect_dma semaphore(%arg23 : memref<!tpu.dma_semaphore, #tpu.memory_space<semaphore_mem>>) src(%arg16 : memref<64x64xf32, #tpu.memory_space<vmem>>) dst(%dma_wait3A_53 : memref<20096x64xf32, #tpu.memory_space<vmem_shared>>)
    %barrier3A_54 = arith.constant 0 : index
    tpu.barrier barrier_id(%barrier3A_54)
    %mul3A_55 = arith.constant 20096 : i32
    %mul3A_56 = arith.muli %arg0, %mul3A_55 : i32
    %add3A_57 = arith.addi %mul3A_56, %mul3A_0 : i32
    "tpu.region"() ({
      %run_scoped3A = tpu.sem_alloc : memref<!tpu.dma_semaphore, #tpu.memory_space<semaphore_mem>>
      %dma_start3A_58 = arith.constant 0 : i32
      %dma_start3A_59 = tpu.memref_slice %arg8[%add3A_57, %dma_start3A_58] : memref<40192x64xf32, #tpu.memory_space<hbm>> -> memref<1256x64xf32, #tpu.memory_space<hbm>>
      %dma_start3A_60 = arith.constant 0 : i32
      %dma_start3A_61 = tpu.memref_slice %arg18[%mul3A_0, %dma_start3A_60] : memref<20096x64xf32, #tpu.memory_space<vmem_shared>> -> memref<1256x64xf32, #tpu.memory_space<vmem_shared>>
      tpu.enqueue_dma source(%dma_start3A_61 : memref<1256x64xf32, #tpu.memory_space<vmem_shared>>) target(%dma_start3A_59 : memref<1256x64xf32, #tpu.memory_space<hbm>>) target_semaphore(%run_scoped3A : memref<!tpu.dma_semaphore, #tpu.memory_space<semaphore_mem>>)
      %dma_wait3A_62 = arith.constant 0 : i32
      %dma_wait3A_63 = tpu.memref_slice %arg8[%add3A_57, %dma_wait3A_62] : memref<40192x64xf32, #tpu.memory_space<hbm>> -> memref<1256x64xf32, #tpu.memory_space<hbm>>
      %dma_wait3A_64 = arith.constant 0 : i32
      %dma_wait3A_65 = tpu.memref_slice %arg18[%mul3A_0, %dma_wait3A_64] : memref<20096x64xf32, #tpu.memory_space<vmem_shared>> -> memref<1256x64xf32, #tpu.memory_space<vmem_shared>>
      tpu.wait_dma2 semaphore(%run_scoped3A : memref<!tpu.dma_semaphore, #tpu.memory_space<semaphore_mem>>) src(%dma_wait3A_65 : memref<1256x64xf32, #tpu.memory_space<vmem_shared>>) dst(%dma_wait3A_63 : memref<1256x64xf32, #tpu.memory_space<hbm>>)
      tpu.yield
    }) : () -> ()
    return
  }
}

#map = affine_map<(d0, d1) -> (0, 0)>
#map1 = affine_map<(d0, d1) -> (0, 0, 0)>
#map2 = affine_map<(d0, d1) -> (0)>
module attributes {stable_mosaic.version = 14 : i64} {
  func.func @body(%arg0: i32, %arg1: i32, %arg2: memref<10000x64xf32, #tpu.memory_space<hbm>>, %arg3: memref<10000x64xf32, #tpu.memory_space<hbm>>, %arg4: memref<5024x2x64xi32, #tpu.memory_space<hbm>>, %arg5: memref<1256x64xf32, #tpu.memory_space<hbm>>, %arg6: memref<1256xf32, #tpu.memory_space<hbm>>, %arg7: memref<64xf32, #tpu.memory_space<hbm>>, %arg8: memref<40192x64xf32, #tpu.memory_space<hbm>>, %arg9: memref<20096xf32, #tpu.memory_space<hbm>>, %arg10: memref<2x64xi32, #tpu.memory_space<vmem>>, %arg11: memref<2x64xi32, #tpu.memory_space<vmem>>, %arg12: memref<64xi32, #tpu.memory_space<vmem>>, %arg13: memref<64xi32, #tpu.memory_space<vmem>>, %arg14: memref<64xi32, #tpu.memory_space<vmem>>, %arg15: memref<64xi32, #tpu.memory_space<vmem>>, %arg16: memref<64x64xf32, #tpu.memory_space<vmem>>, %arg17: memref<64x64xf32, #tpu.memory_space<vmem>>, %arg18: memref<64xf32, #tpu.memory_space<vmem>>, %arg19: memref<20096x64xf32, #tpu.memory_space<vmem_shared>>, %arg20: memref<20096xf32, #tpu.memory_space<vmem_shared>>, %arg21: memref<10000x64xf32, #tpu.memory_space<vmem_shared>>, %arg22: memref<!tpu.dma_semaphore, #tpu.memory_space<semaphore_mem>>, %arg23: memref<!tpu.dma_semaphore, #tpu.memory_space<semaphore_mem>>, %arg24: memref<!tpu.dma_semaphore, #tpu.memory_space<semaphore_mem>>, %arg25: memref<!tpu.dma_semaphore, #tpu.memory_space<semaphore_mem>>) attributes {dimension_semantics = [#tpu.dimension_semantics<core_parallel>, #tpu.dimension_semantics<subcore_parallel>], iteration_bounds = array<i64: 2, 16>, scalar_prefetch = 0 : i64, scratch_operands = 16 : i64, tpu.core_type = #tpu.core_type<sc_vector_subcore>, window_params = [{transform_indices = #map}, {transform_indices = #map}, {transform_indices = #map1}, {transform_indices = #map}, {transform_indices = #map2}, {transform_indices = #map2}, {transform_indices = #map}, {transform_indices = #map2}]} {
    %mul3A = arith.constant 1256 : i32
    %mul3A_0 = arith.muli %arg1, %mul3A : i32
    %mul3A_1 = arith.constant 625 : i32
    %mul3A_2 = arith.muli %arg1, %mul3A_1 : i32
    %eq3A = arith.constant 0 : i32
    %eq3A_3 = arith.cmpi eq, %arg0, %eq3A : i32
    %convert_element_type3A = arith.extui %eq3A_3 : i1 to i32
    %cond3A = arith.constant 0 : i32
    %cond3A_4 = arith.cmpi ne, %convert_element_type3A, %cond3A : i32
    scf.if %cond3A_4 {
      %dma_start3A_83 = arith.constant 0 : i32
      %dma_start3A_84 = tpu.memref_slice %arg21[%mul3A_2, %dma_start3A_83] : memref<10000x64xf32, #tpu.memory_space<vmem_shared>> -> memref<625x64xf32, #tpu.memory_space<vmem_shared>>
      %dma_start3A_85 = arith.constant 0 : i32
      %dma_start3A_86 = tpu.memref_slice %arg2[%mul3A_2, %dma_start3A_85] : memref<10000x64xf32, #tpu.memory_space<hbm>> -> memref<625x64xf32, #tpu.memory_space<hbm>>
      tpu.enqueue_dma source(%dma_start3A_86 : memref<625x64xf32, #tpu.memory_space<hbm>>) target(%dma_start3A_84 : memref<625x64xf32, #tpu.memory_space<vmem_shared>>) target_semaphore(%arg22 : memref<!tpu.dma_semaphore, #tpu.memory_space<semaphore_mem>>)
    } else {
    }
    %eq3A_5 = arith.constant 1 : i32
    %eq3A_6 = arith.cmpi eq, %arg0, %eq3A_5 : i32
    %convert_element_type3A_7 = arith.extui %eq3A_6 : i1 to i32
    %cond3A_8 = arith.constant 0 : i32
    %cond3A_9 = arith.cmpi ne, %convert_element_type3A_7, %cond3A_8 : i32
    scf.if %cond3A_9 {
      %dma_start3A_83 = arith.constant 0 : i32
      %dma_start3A_84 = tpu.memref_slice %arg21[%mul3A_2, %dma_start3A_83] : memref<10000x64xf32, #tpu.memory_space<vmem_shared>> -> memref<625x64xf32, #tpu.memory_space<vmem_shared>>
      %dma_start3A_85 = arith.constant 0 : i32
      %dma_start3A_86 = tpu.memref_slice %arg3[%mul3A_2, %dma_start3A_85] : memref<10000x64xf32, #tpu.memory_space<hbm>> -> memref<625x64xf32, #tpu.memory_space<hbm>>
      tpu.enqueue_dma source(%dma_start3A_86 : memref<625x64xf32, #tpu.memory_space<hbm>>) target(%dma_start3A_84 : memref<625x64xf32, #tpu.memory_space<vmem_shared>>) target_semaphore(%arg22 : memref<!tpu.dma_semaphore, #tpu.memory_space<semaphore_mem>>)
    } else {
    }
    %dma_start3A = arith.constant 0 : i32
    %dma_start3A_10 = tpu.memref_slice %arg19[%mul3A_0, %dma_start3A] : memref<20096x64xf32, #tpu.memory_space<vmem_shared>> -> memref<1256x64xf32, #tpu.memory_space<vmem_shared>>
    tpu.enqueue_dma source(%arg5 : memref<1256x64xf32, #tpu.memory_space<hbm>>) target(%dma_start3A_10 : memref<1256x64xf32, #tpu.memory_space<vmem_shared>>) target_semaphore(%arg22 : memref<!tpu.dma_semaphore, #tpu.memory_space<semaphore_mem>>)
    %eq3A_11 = arith.constant 0 : i32
    %eq3A_12 = arith.cmpi eq, %arg0, %eq3A_11 : i32
    %convert_element_type3A_13 = arith.extui %eq3A_12 : i1 to i32
    %cond3A_14 = arith.constant 0 : i32
    %cond3A_15 = arith.cmpi ne, %convert_element_type3A_13, %cond3A_14 : i32
    scf.if %cond3A_15 {
      %dma_start3A_83 = tpu.memref_slice %arg20[%mul3A_0] : memref<20096xf32, #tpu.memory_space<vmem_shared>> -> memref<1256xf32, #tpu.memory_space<vmem_shared>>
      tpu.enqueue_dma source(%arg6 : memref<1256xf32, #tpu.memory_space<hbm>>) target(%dma_start3A_83 : memref<1256xf32, #tpu.memory_space<vmem_shared>>) target_semaphore(%arg22 : memref<!tpu.dma_semaphore, #tpu.memory_space<semaphore_mem>>)
      "tpu.region"() ({
        %run_scoped3A = tpu.sem_alloc : memref<!tpu.dma_semaphore, #tpu.memory_space<semaphore_mem>>
        tpu.enqueue_dma source(%arg7 : memref<64xf32, #tpu.memory_space<hbm>>) target(%arg18 : memref<64xf32, #tpu.memory_space<vmem>>) target_semaphore(%run_scoped3A : memref<!tpu.dma_semaphore, #tpu.memory_space<semaphore_mem>>)
        tpu.wait_dma2 semaphore(%run_scoped3A : memref<!tpu.dma_semaphore, #tpu.memory_space<semaphore_mem>>) src(%arg7 : memref<64xf32, #tpu.memory_space<hbm>>) dst(%arg18 : memref<64xf32, #tpu.memory_space<vmem>>)
        tpu.yield
      }) : () -> ()
    } else {
    }
    %eq3A_16 = arith.constant 0 : i32
    %eq3A_17 = arith.cmpi eq, %arg0, %eq3A_16 : i32
    %convert_element_type3A_18 = arith.extui %eq3A_17 : i1 to i32
    %cond3A_19 = arith.constant 0 : i32
    %cond3A_20 = arith.cmpi ne, %convert_element_type3A_18, %cond3A_19 : i32
    scf.if %cond3A_20 {
      %dma_wait3A_83 = arith.constant 0 : i32
      %dma_wait3A_84 = tpu.memref_slice %arg21[%mul3A_2, %dma_wait3A_83] : memref<10000x64xf32, #tpu.memory_space<vmem_shared>> -> memref<625x64xf32, #tpu.memory_space<vmem_shared>>
      %dma_wait3A_85 = arith.constant 0 : i32
      %dma_wait3A_86 = tpu.memref_slice %arg2[%mul3A_2, %dma_wait3A_85] : memref<10000x64xf32, #tpu.memory_space<hbm>> -> memref<625x64xf32, #tpu.memory_space<hbm>>
      tpu.wait_dma2 semaphore(%arg22 : memref<!tpu.dma_semaphore, #tpu.memory_space<semaphore_mem>>) src(%dma_wait3A_86 : memref<625x64xf32, #tpu.memory_space<hbm>>) dst(%dma_wait3A_84 : memref<625x64xf32, #tpu.memory_space<vmem_shared>>)
    } else {
    }
    %eq3A_21 = arith.constant 1 : i32
    %eq3A_22 = arith.cmpi eq, %arg0, %eq3A_21 : i32
    %convert_element_type3A_23 = arith.extui %eq3A_22 : i1 to i32
    %cond3A_24 = arith.constant 0 : i32
    %cond3A_25 = arith.cmpi ne, %convert_element_type3A_23, %cond3A_24 : i32
    scf.if %cond3A_25 {
      %dma_wait3A_83 = arith.constant 0 : i32
      %dma_wait3A_84 = tpu.memref_slice %arg21[%mul3A_2, %dma_wait3A_83] : memref<10000x64xf32, #tpu.memory_space<vmem_shared>> -> memref<625x64xf32, #tpu.memory_space<vmem_shared>>
      %dma_wait3A_85 = arith.constant 0 : i32
      %dma_wait3A_86 = tpu.memref_slice %arg3[%mul3A_2, %dma_wait3A_85] : memref<10000x64xf32, #tpu.memory_space<hbm>> -> memref<625x64xf32, #tpu.memory_space<hbm>>
      tpu.wait_dma2 semaphore(%arg22 : memref<!tpu.dma_semaphore, #tpu.memory_space<semaphore_mem>>) src(%dma_wait3A_86 : memref<625x64xf32, #tpu.memory_space<hbm>>) dst(%dma_wait3A_84 : memref<625x64xf32, #tpu.memory_space<vmem_shared>>)
    } else {
    }
    %dma_wait3A = arith.constant 0 : i32
    %dma_wait3A_26 = tpu.memref_slice %arg19[%mul3A_0, %dma_wait3A] : memref<20096x64xf32, #tpu.memory_space<vmem_shared>> -> memref<1256x64xf32, #tpu.memory_space<vmem_shared>>
    tpu.wait_dma2 semaphore(%arg22 : memref<!tpu.dma_semaphore, #tpu.memory_space<semaphore_mem>>) src(%arg5 : memref<1256x64xf32, #tpu.memory_space<hbm>>) dst(%dma_wait3A_26 : memref<1256x64xf32, #tpu.memory_space<vmem_shared>>)
    %eq3A_27 = arith.constant 0 : i32
    %eq3A_28 = arith.cmpi eq, %arg0, %eq3A_27 : i32
    %convert_element_type3A_29 = arith.extui %eq3A_28 : i1 to i32
    %cond3A_30 = arith.constant 0 : i32
    %cond3A_31 = arith.cmpi ne, %convert_element_type3A_29, %cond3A_30 : i32
    scf.if %cond3A_31 {
      %dma_wait3A_83 = tpu.memref_slice %arg20[%mul3A_0] : memref<20096xf32, #tpu.memory_space<vmem_shared>> -> memref<1256xf32, #tpu.memory_space<vmem_shared>>
      tpu.wait_dma2 semaphore(%arg22 : memref<!tpu.dma_semaphore, #tpu.memory_space<semaphore_mem>>) src(%arg6 : memref<1256xf32, #tpu.memory_space<hbm>>) dst(%dma_wait3A_83 : memref<1256xf32, #tpu.memory_space<vmem_shared>>)
    } else {
    }
    %barrier3A = arith.constant 0 : index
    tpu.barrier barrier_id(%barrier3A)
    %mul3A_32 = arith.constant 314 : i32
    %mul3A_33 = arith.muli %arg1, %mul3A_32 : i32
    %add3A = arith.constant 0 : i32
    %add3A_34 = arith.addi %mul3A_33, %add3A : i32
    %dma_start3A_35 = arith.constant 0 : i32
    %dma_start3A_36 = arith.constant 0 : i32
    %dma_start3A_37 = tpu.memref_slice %arg4[%add3A_34, %dma_start3A_35, %dma_start3A_36] : memref<5024x2x64xi32, #tpu.memory_space<hbm>> -> memref<1x2x64xi32, #tpu.memory_space<hbm>>
    %dma_start3A_38 = tpu.memref_squeeze %dma_start3A_37 : memref<1x2x64xi32, #tpu.memory_space<hbm>> -> memref<2x64xi32, #tpu.memory_space<hbm>>
    %dma_start3A_39 = arith.constant 0 : i32
    %dma_start3A_40 = arith.constant 0 : i32
    %dma_start3A_41 = tpu.memref_slice %arg4[%add3A_34, %dma_start3A_39, %dma_start3A_40] : memref<5024x2x64xi32, #tpu.memory_space<hbm>> -> memref<1x2x64xi32, #tpu.memory_space<hbm>>
    %dma_start3A_42 = tpu.memref_squeeze %dma_start3A_41 : memref<1x2x64xi32, #tpu.memory_space<hbm>> -> memref<2x64xi32, #tpu.memory_space<hbm>>
    tpu.enqueue_dma source(%dma_start3A_42 : memref<2x64xi32, #tpu.memory_space<hbm>>) target(%arg10 : memref<2x64xi32, #tpu.memory_space<vmem>>) target_semaphore(%arg22 : memref<!tpu.dma_semaphore, #tpu.memory_space<semaphore_mem>>)
    %add3A_43 = arith.constant 1 : i32
    %add3A_44 = arith.addi %mul3A_33, %add3A_43 : i32
    %dma_start3A_45 = arith.constant 0 : i32
    %dma_start3A_46 = arith.constant 0 : i32
    %dma_start3A_47 = tpu.memref_slice %arg4[%add3A_44, %dma_start3A_45, %dma_start3A_46] : memref<5024x2x64xi32, #tpu.memory_space<hbm>> -> memref<1x2x64xi32, #tpu.memory_space<hbm>>
    %dma_start3A_48 = tpu.memref_squeeze %dma_start3A_47 : memref<1x2x64xi32, #tpu.memory_space<hbm>> -> memref<2x64xi32, #tpu.memory_space<hbm>>
    %dma_start3A_49 = arith.constant 0 : i32
    %dma_start3A_50 = arith.constant 0 : i32
    %dma_start3A_51 = tpu.memref_slice %arg4[%add3A_44, %dma_start3A_49, %dma_start3A_50] : memref<5024x2x64xi32, #tpu.memory_space<hbm>> -> memref<1x2x64xi32, #tpu.memory_space<hbm>>
    %dma_start3A_52 = tpu.memref_squeeze %dma_start3A_51 : memref<1x2x64xi32, #tpu.memory_space<hbm>> -> memref<2x64xi32, #tpu.memory_space<hbm>>
    tpu.enqueue_dma source(%dma_start3A_52 : memref<2x64xi32, #tpu.memory_space<hbm>>) target(%arg11 : memref<2x64xi32, #tpu.memory_space<vmem>>) target_semaphore(%arg22 : memref<!tpu.dma_semaphore, #tpu.memory_space<semaphore_mem>>)
    %scan3A = arith.constant 0 : i32
    %scan3A_53 = arith.constant 0 : i32
    %scan3A_54 = arith.constant 157 : i32
    %scan3A_55 = arith.addi %scan3A_53, %scan3A_54 : i32
    %scan3A_56 = arith.constant 1 : i32
    scf.for %scan3A_83 = %scan3A_53 to %scan3A_55 step %scan3A_56  : i32 {
      %mul3A_84 = arith.constant 2 : i32
      %mul3A_85 = arith.muli %scan3A_83, %mul3A_84 : i32
      %add3A_86 = arith.addi %mul3A_33, %mul3A_85 : i32
      %add3A_87 = arith.constant 0 : i32
      %add3A_88 = arith.addi %add3A_86, %add3A_87 : i32
      %gt3A = arith.constant 0 : i32
      %gt3A_89 = arith.cmpi sgt, %scan3A_83, %gt3A : i32
      %convert_element_type3A_90 = arith.extui %gt3A_89 : i1 to i32
      %cond3A_91 = arith.constant 0 : i32
      %cond3A_92 = arith.cmpi ne, %convert_element_type3A_90, %cond3A_91 : i32
      scf.if %cond3A_92 {
        %dma_wait3A_296 = arith.constant 0 : i32
        %dma_wait3A_297 = arith.constant 0 : i32
        %dma_wait3A_298 = tpu.memref_slice %arg19[%dma_wait3A_296, %dma_wait3A_297] : memref<20096x64xf32, #tpu.memory_space<vmem_shared>> -> memref<20096x64xf32, #tpu.memory_space<vmem_shared>>
        tpu.wait_indirect_dma semaphore(%arg24 : memref<!tpu.dma_semaphore, #tpu.memory_space<semaphore_mem>>) src(%arg16 : memref<64x64xf32, #tpu.memory_space<vmem>>) dst(%dma_wait3A_298 : memref<20096x64xf32, #tpu.memory_space<vmem_shared>>)
        %eq3A_299 = arith.constant 0 : i32
        %eq3A_300 = arith.cmpi eq, %arg0, %eq3A_299 : i32
        %convert_element_type3A_301 = arith.extui %eq3A_300 : i1 to i32
        %cond3A_302 = arith.constant 0 : i32
        %cond3A_303 = arith.cmpi ne, %convert_element_type3A_301, %cond3A_302 : i32
        scf.if %cond3A_303 {
          %dma_wait3A_304 = arith.constant 0 : i32
          %dma_wait3A_305 = tpu.memref_slice %arg20[%dma_wait3A_304] : memref<20096xf32, #tpu.memory_space<vmem_shared>> -> memref<20096xf32, #tpu.memory_space<vmem_shared>>
          tpu.wait_indirect_dma semaphore(%arg25 : memref<!tpu.dma_semaphore, #tpu.memory_space<semaphore_mem>>) src(%arg18 : memref<64xf32, #tpu.memory_space<vmem>>) dst(%dma_wait3A_305 : memref<20096xf32, #tpu.memory_space<vmem_shared>>)
        } else {
        }
      } else {
      }
      %dma_wait3A_93 = arith.constant 0 : i32
      %dma_wait3A_94 = arith.constant 0 : i32
      %dma_wait3A_95 = tpu.memref_slice %arg4[%add3A_88, %dma_wait3A_93, %dma_wait3A_94] : memref<5024x2x64xi32, #tpu.memory_space<hbm>> -> memref<1x2x64xi32, #tpu.memory_space<hbm>>
      %dma_wait3A_96 = tpu.memref_squeeze %dma_wait3A_95 : memref<1x2x64xi32, #tpu.memory_space<hbm>> -> memref<2x64xi32, #tpu.memory_space<hbm>>
      %dma_wait3A_97 = arith.constant 0 : i32
      %dma_wait3A_98 = arith.constant 0 : i32
      %dma_wait3A_99 = tpu.memref_slice %arg4[%add3A_88, %dma_wait3A_97, %dma_wait3A_98] : memref<5024x2x64xi32, #tpu.memory_space<hbm>> -> memref<1x2x64xi32, #tpu.memory_space<hbm>>
      %dma_wait3A_100 = tpu.memref_squeeze %dma_wait3A_99 : memref<1x2x64xi32, #tpu.memory_space<hbm>> -> memref<2x64xi32, #tpu.memory_space<hbm>>
      tpu.wait_dma2 semaphore(%arg22 : memref<!tpu.dma_semaphore, #tpu.memory_space<semaphore_mem>>) src(%dma_wait3A_100 : memref<2x64xi32, #tpu.memory_space<hbm>>) dst(%arg10 : memref<2x64xi32, #tpu.memory_space<vmem>>)
      %get3A = arith.constant 0 : i32
      %get3A_101 = arith.index_cast %get3A : i32 to index
      %get3A_102 = arith.constant 0 : index
      %get3A_103 = tpu.vector_load %arg10[%get3A_101, %get3A_102] {strides = array<i32>} : memref<2x64xi32, #tpu.memory_space<vmem>>, vector<1x16xi32>,
      %get3A_104 = vector.shape_cast %get3A_103 : vector<1x16xi32> to vector<16xi32>
      %swap3A = arith.constant 0 : index
      %swap3A_105 = tpu.vector_load %arg12[%swap3A] {strides = array<i32>} : memref<64xi32, #tpu.memory_space<vmem>>, vector<16xi32>,
      %swap3A_106 = vector.shape_cast %swap3A_105 : vector<16xi32> to vector<16xi32>
      %swap3A_107 = vector.shape_cast %get3A_104 : vector<16xi32> to vector<16xi32>
      tpu.vector_store %arg12[%swap3A], %swap3A_107 {strides = array<i32>} : memref<64xi32, #tpu.memory_space<vmem>>, vector<16xi32>,
      %get3A_108 = arith.constant 1 : i32
      %get3A_109 = arith.index_cast %get3A_108 : i32 to index
      %get3A_110 = arith.constant 0 : index
      %get3A_111 = tpu.vector_load %arg10[%get3A_109, %get3A_110] {strides = array<i32>} : memref<2x64xi32, #tpu.memory_space<vmem>>, vector<1x16xi32>,
      %get3A_112 = vector.shape_cast %get3A_111 : vector<1x16xi32> to vector<16xi32>
      %swap3A_113 = arith.constant 0 : index
      %swap3A_114 = tpu.vector_load %arg14[%swap3A_113] {strides = array<i32>} : memref<64xi32, #tpu.memory_space<vmem>>, vector<16xi32>,
      %swap3A_115 = vector.shape_cast %swap3A_114 : vector<16xi32> to vector<16xi32>
      %swap3A_116 = vector.shape_cast %get3A_112 : vector<16xi32> to vector<16xi32>
      tpu.vector_store %arg14[%swap3A_113], %swap3A_116 {strides = array<i32>} : memref<64xi32, #tpu.memory_space<vmem>>, vector<16xi32>,
      %get3A_117 = arith.constant 0 : i32
      %get3A_118 = arith.index_cast %get3A_117 : i32 to index
      %get3A_119 = arith.constant 16 : index
      %get3A_120 = tpu.vector_load %arg10[%get3A_118, %get3A_119] {strides = array<i32>} : memref<2x64xi32, #tpu.memory_space<vmem>>, vector<1x16xi32>,
      %get3A_121 = vector.shape_cast %get3A_120 : vector<1x16xi32> to vector<16xi32>
      %swap3A_122 = arith.constant 16 : index
      %swap3A_123 = tpu.vector_load %arg12[%swap3A_122] {strides = array<i32>} : memref<64xi32, #tpu.memory_space<vmem>>, vector<16xi32>,
      %swap3A_124 = vector.shape_cast %swap3A_123 : vector<16xi32> to vector<16xi32>
      %swap3A_125 = vector.shape_cast %get3A_121 : vector<16xi32> to vector<16xi32>
      tpu.vector_store %arg12[%swap3A_122], %swap3A_125 {strides = array<i32>} : memref<64xi32, #tpu.memory_space<vmem>>, vector<16xi32>,
      %get3A_126 = arith.constant 1 : i32
      %get3A_127 = arith.index_cast %get3A_126 : i32 to index
      %get3A_128 = arith.constant 16 : index
      %get3A_129 = tpu.vector_load %arg10[%get3A_127, %get3A_128] {strides = array<i32>} : memref<2x64xi32, #tpu.memory_space<vmem>>, vector<1x16xi32>,
      %get3A_130 = vector.shape_cast %get3A_129 : vector<1x16xi32> to vector<16xi32>
      %swap3A_131 = arith.constant 16 : index
      %swap3A_132 = tpu.vector_load %arg14[%swap3A_131] {strides = array<i32>} : memref<64xi32, #tpu.memory_space<vmem>>, vector<16xi32>,
      %swap3A_133 = vector.shape_cast %swap3A_132 : vector<16xi32> to vector<16xi32>
      %swap3A_134 = vector.shape_cast %get3A_130 : vector<16xi32> to vector<16xi32>
      tpu.vector_store %arg14[%swap3A_131], %swap3A_134 {strides = array<i32>} : memref<64xi32, #tpu.memory_space<vmem>>, vector<16xi32>,
      %get3A_135 = arith.constant 0 : i32
      %get3A_136 = arith.index_cast %get3A_135 : i32 to index
      %get3A_137 = arith.constant 32 : index
      %get3A_138 = tpu.vector_load %arg10[%get3A_136, %get3A_137] {strides = array<i32>} : memref<2x64xi32, #tpu.memory_space<vmem>>, vector<1x16xi32>,
      %get3A_139 = vector.shape_cast %get3A_138 : vector<1x16xi32> to vector<16xi32>
      %swap3A_140 = arith.constant 32 : index
      %swap3A_141 = tpu.vector_load %arg12[%swap3A_140] {strides = array<i32>} : memref<64xi32, #tpu.memory_space<vmem>>, vector<16xi32>,
      %swap3A_142 = vector.shape_cast %swap3A_141 : vector<16xi32> to vector<16xi32>
      %swap3A_143 = vector.shape_cast %get3A_139 : vector<16xi32> to vector<16xi32>
      tpu.vector_store %arg12[%swap3A_140], %swap3A_143 {strides = array<i32>} : memref<64xi32, #tpu.memory_space<vmem>>, vector<16xi32>,
      %get3A_144 = arith.constant 1 : i32
      %get3A_145 = arith.index_cast %get3A_144 : i32 to index
      %get3A_146 = arith.constant 32 : index
      %get3A_147 = tpu.vector_load %arg10[%get3A_145, %get3A_146] {strides = array<i32>} : memref<2x64xi32, #tpu.memory_space<vmem>>, vector<1x16xi32>,
      %get3A_148 = vector.shape_cast %get3A_147 : vector<1x16xi32> to vector<16xi32>
      %swap3A_149 = arith.constant 32 : index
      %swap3A_150 = tpu.vector_load %arg14[%swap3A_149] {strides = array<i32>} : memref<64xi32, #tpu.memory_space<vmem>>, vector<16xi32>,
      %swap3A_151 = vector.shape_cast %swap3A_150 : vector<16xi32> to vector<16xi32>
      %swap3A_152 = vector.shape_cast %get3A_148 : vector<16xi32> to vector<16xi32>
      tpu.vector_store %arg14[%swap3A_149], %swap3A_152 {strides = array<i32>} : memref<64xi32, #tpu.memory_space<vmem>>, vector<16xi32>,
      %get3A_153 = arith.constant 0 : i32
      %get3A_154 = arith.index_cast %get3A_153 : i32 to index
      %get3A_155 = arith.constant 48 : index
      %get3A_156 = tpu.vector_load %arg10[%get3A_154, %get3A_155] {strides = array<i32>} : memref<2x64xi32, #tpu.memory_space<vmem>>, vector<1x16xi32>,
      %get3A_157 = vector.shape_cast %get3A_156 : vector<1x16xi32> to vector<16xi32>
      %swap3A_158 = arith.constant 48 : index
      %swap3A_159 = tpu.vector_load %arg12[%swap3A_158] {strides = array<i32>} : memref<64xi32, #tpu.memory_space<vmem>>, vector<16xi32>,
      %swap3A_160 = vector.shape_cast %swap3A_159 : vector<16xi32> to vector<16xi32>
      %swap3A_161 = vector.shape_cast %get3A_157 : vector<16xi32> to vector<16xi32>
      tpu.vector_store %arg12[%swap3A_158], %swap3A_161 {strides = array<i32>} : memref<64xi32, #tpu.memory_space<vmem>>, vector<16xi32>,
      %get3A_162 = arith.constant 1 : i32
      %get3A_163 = arith.index_cast %get3A_162 : i32 to index
      %get3A_164 = arith.constant 48 : index
      %get3A_165 = tpu.vector_load %arg10[%get3A_163, %get3A_164] {strides = array<i32>} : memref<2x64xi32, #tpu.memory_space<vmem>>, vector<1x16xi32>,
      %get3A_166 = vector.shape_cast %get3A_165 : vector<1x16xi32> to vector<16xi32>
      %swap3A_167 = arith.constant 48 : index
      %swap3A_168 = tpu.vector_load %arg14[%swap3A_167] {strides = array<i32>} : memref<64xi32, #tpu.memory_space<vmem>>, vector<16xi32>,
      %swap3A_169 = vector.shape_cast %swap3A_168 : vector<16xi32> to vector<16xi32>
      %swap3A_170 = vector.shape_cast %get3A_166 : vector<16xi32> to vector<16xi32>
      tpu.vector_store %arg14[%swap3A_167], %swap3A_170 {strides = array<i32>} : memref<64xi32, #tpu.memory_space<vmem>>, vector<16xi32>,
      %lt3A = arith.constant 156 : i32
      %lt3A_171 = arith.cmpi slt, %scan3A_83, %lt3A : i32
      %convert_element_type3A_172 = arith.extui %lt3A_171 : i1 to i32
      %cond3A_173 = arith.constant 0 : i32
      %cond3A_174 = arith.cmpi ne, %convert_element_type3A_172, %cond3A_173 : i32
      scf.if %cond3A_174 {
        %add3A_296 = arith.constant 2 : i32
        %add3A_297 = arith.addi %add3A_88, %add3A_296 : i32
        %dma_start3A_298 = arith.constant 0 : i32
        %dma_start3A_299 = arith.constant 0 : i32
        %dma_start3A_300 = tpu.memref_slice %arg4[%add3A_297, %dma_start3A_298, %dma_start3A_299] : memref<5024x2x64xi32, #tpu.memory_space<hbm>> -> memref<1x2x64xi32, #tpu.memory_space<hbm>>
        %dma_start3A_301 = tpu.memref_squeeze %dma_start3A_300 : memref<1x2x64xi32, #tpu.memory_space<hbm>> -> memref<2x64xi32, #tpu.memory_space<hbm>>
        %dma_start3A_302 = arith.constant 0 : i32
        %dma_start3A_303 = arith.constant 0 : i32
        %dma_start3A_304 = tpu.memref_slice %arg4[%add3A_297, %dma_start3A_302, %dma_start3A_303] : memref<5024x2x64xi32, #tpu.memory_space<hbm>> -> memref<1x2x64xi32, #tpu.memory_space<hbm>>
        %dma_start3A_305 = tpu.memref_squeeze %dma_start3A_304 : memref<1x2x64xi32, #tpu.memory_space<hbm>> -> memref<2x64xi32, #tpu.memory_space<hbm>>
        tpu.enqueue_dma source(%dma_start3A_305 : memref<2x64xi32, #tpu.memory_space<hbm>>) target(%arg10 : memref<2x64xi32, #tpu.memory_space<vmem>>) target_semaphore(%arg22 : memref<!tpu.dma_semaphore, #tpu.memory_space<semaphore_mem>>)
      } else {
      }
      %dma_start3A_175 = arith.constant 0 : i32
      %dma_start3A_176 = arith.constant 0 : i32
      %dma_start3A_177 = tpu.memref_slice %arg21[%dma_start3A_175, %dma_start3A_176] : memref<10000x64xf32, #tpu.memory_space<vmem_shared>> -> memref<10000x64xf32, #tpu.memory_space<vmem_shared>>
      tpu.enqueue_indirect_dma source(%dma_start3A_177 : memref<10000x64xf32, #tpu.memory_space<vmem_shared>>) target(%arg16 : memref<64x64xf32, #tpu.memory_space<vmem>>) offsets(%arg12 : memref<64xi32, #tpu.memory_space<vmem>>) semaphore(%arg23 : memref<!tpu.dma_semaphore, #tpu.memory_space<semaphore_mem>>)
      %add3A_178 = arith.addi %mul3A_33, %mul3A_85 : i32
      %add3A_179 = arith.constant 1 : i32
      %add3A_180 = arith.addi %add3A_178, %add3A_179 : i32
      %gt3A_181 = arith.constant 0 : i32
      %gt3A_182 = arith.cmpi sgt, %scan3A_83, %gt3A_181 : i32
      %convert_element_type3A_183 = arith.extui %gt3A_182 : i1 to i32
      %cond3A_184 = arith.constant 0 : i32
      %cond3A_185 = arith.cmpi ne, %convert_element_type3A_183, %cond3A_184 : i32
      scf.if %cond3A_185 {
        %dma_wait3A_296 = arith.constant 0 : i32
        %dma_wait3A_297 = arith.constant 0 : i32
        %dma_wait3A_298 = tpu.memref_slice %arg19[%dma_wait3A_296, %dma_wait3A_297] : memref<20096x64xf32, #tpu.memory_space<vmem_shared>> -> memref<20096x64xf32, #tpu.memory_space<vmem_shared>>
        tpu.wait_indirect_dma semaphore(%arg24 : memref<!tpu.dma_semaphore, #tpu.memory_space<semaphore_mem>>) src(%arg17 : memref<64x64xf32, #tpu.memory_space<vmem>>) dst(%dma_wait3A_298 : memref<20096x64xf32, #tpu.memory_space<vmem_shared>>)
        %eq3A_299 = arith.constant 0 : i32
        %eq3A_300 = arith.cmpi eq, %arg0, %eq3A_299 : i32
        %convert_element_type3A_301 = arith.extui %eq3A_300 : i1 to i32
        %cond3A_302 = arith.constant 0 : i32
        %cond3A_303 = arith.cmpi ne, %convert_element_type3A_301, %cond3A_302 : i32
        scf.if %cond3A_303 {
          %dma_wait3A_304 = arith.constant 0 : i32
          %dma_wait3A_305 = tpu.memref_slice %arg20[%dma_wait3A_304] : memref<20096xf32, #tpu.memory_space<vmem_shared>> -> memref<20096xf32, #tpu.memory_space<vmem_shared>>
          tpu.wait_indirect_dma semaphore(%arg25 : memref<!tpu.dma_semaphore, #tpu.memory_space<semaphore_mem>>) src(%arg18 : memref<64xf32, #tpu.memory_space<vmem>>) dst(%dma_wait3A_305 : memref<20096xf32, #tpu.memory_space<vmem_shared>>)
        } else {
        }
      } else {
      }
      %dma_wait3A_186 = arith.constant 0 : i32
      %dma_wait3A_187 = arith.constant 0 : i32
      %dma_wait3A_188 = tpu.memref_slice %arg4[%add3A_180, %dma_wait3A_186, %dma_wait3A_187] : memref<5024x2x64xi32, #tpu.memory_space<hbm>> -> memref<1x2x64xi32, #tpu.memory_space<hbm>>
      %dma_wait3A_189 = tpu.memref_squeeze %dma_wait3A_188 : memref<1x2x64xi32, #tpu.memory_space<hbm>> -> memref<2x64xi32, #tpu.memory_space<hbm>>
      %dma_wait3A_190 = arith.constant 0 : i32
      %dma_wait3A_191 = arith.constant 0 : i32
      %dma_wait3A_192 = tpu.memref_slice %arg4[%add3A_180, %dma_wait3A_190, %dma_wait3A_191] : memref<5024x2x64xi32, #tpu.memory_space<hbm>> -> memref<1x2x64xi32, #tpu.memory_space<hbm>>
      %dma_wait3A_193 = tpu.memref_squeeze %dma_wait3A_192 : memref<1x2x64xi32, #tpu.memory_space<hbm>> -> memref<2x64xi32, #tpu.memory_space<hbm>>
      tpu.wait_dma2 semaphore(%arg22 : memref<!tpu.dma_semaphore, #tpu.memory_space<semaphore_mem>>) src(%dma_wait3A_193 : memref<2x64xi32, #tpu.memory_space<hbm>>) dst(%arg11 : memref<2x64xi32, #tpu.memory_space<vmem>>)
      %get3A_194 = arith.constant 0 : i32
      %get3A_195 = arith.index_cast %get3A_194 : i32 to index
      %get3A_196 = arith.constant 0 : index
      %get3A_197 = tpu.vector_load %arg11[%get3A_195, %get3A_196] {strides = array<i32>} : memref<2x64xi32, #tpu.memory_space<vmem>>, vector<1x16xi32>,
      %get3A_198 = vector.shape_cast %get3A_197 : vector<1x16xi32> to vector<16xi32>
      %swap3A_199 = arith.constant 0 : index
      %swap3A_200 = tpu.vector_load %arg13[%swap3A_199] {strides = array<i32>} : memref<64xi32, #tpu.memory_space<vmem>>, vector<16xi32>,
      %swap3A_201 = vector.shape_cast %swap3A_200 : vector<16xi32> to vector<16xi32>
      %swap3A_202 = vector.shape_cast %get3A_198 : vector<16xi32> to vector<16xi32>
      tpu.vector_store %arg13[%swap3A_199], %swap3A_202 {strides = array<i32>} : memref<64xi32, #tpu.memory_space<vmem>>, vector<16xi32>,
      %get3A_203 = arith.constant 1 : i32
      %get3A_204 = arith.index_cast %get3A_203 : i32 to index
      %get3A_205 = arith.constant 0 : index
      %get3A_206 = tpu.vector_load %arg11[%get3A_204, %get3A_205] {strides = array<i32>} : memref<2x64xi32, #tpu.memory_space<vmem>>, vector<1x16xi32>,
      %get3A_207 = vector.shape_cast %get3A_206 : vector<1x16xi32> to vector<16xi32>
      %swap3A_208 = arith.constant 0 : index
      %swap3A_209 = tpu.vector_load %arg15[%swap3A_208] {strides = array<i32>} : memref<64xi32, #tpu.memory_space<vmem>>, vector<16xi32>,
      %swap3A_210 = vector.shape_cast %swap3A_209 : vector<16xi32> to vector<16xi32>
      %swap3A_211 = vector.shape_cast %get3A_207 : vector<16xi32> to vector<16xi32>
      tpu.vector_store %arg15[%swap3A_208], %swap3A_211 {strides = array<i32>} : memref<64xi32, #tpu.memory_space<vmem>>, vector<16xi32>,
      %get3A_212 = arith.constant 0 : i32
      %get3A_213 = arith.index_cast %get3A_212 : i32 to index
      %get3A_214 = arith.constant 16 : index
      %get3A_215 = tpu.vector_load %arg11[%get3A_213, %get3A_214] {strides = array<i32>} : memref<2x64xi32, #tpu.memory_space<vmem>>, vector<1x16xi32>,
      %get3A_216 = vector.shape_cast %get3A_215 : vector<1x16xi32> to vector<16xi32>
      %swap3A_217 = arith.constant 16 : index
      %swap3A_218 = tpu.vector_load %arg13[%swap3A_217] {strides = array<i32>} : memref<64xi32, #tpu.memory_space<vmem>>, vector<16xi32>,
      %swap3A_219 = vector.shape_cast %swap3A_218 : vector<16xi32> to vector<16xi32>
      %swap3A_220 = vector.shape_cast %get3A_216 : vector<16xi32> to vector<16xi32>
      tpu.vector_store %arg13[%swap3A_217], %swap3A_220 {strides = array<i32>} : memref<64xi32, #tpu.memory_space<vmem>>, vector<16xi32>,
      %get3A_221 = arith.constant 1 : i32
      %get3A_222 = arith.index_cast %get3A_221 : i32 to index
      %get3A_223 = arith.constant 16 : index
      %get3A_224 = tpu.vector_load %arg11[%get3A_222, %get3A_223] {strides = array<i32>} : memref<2x64xi32, #tpu.memory_space<vmem>>, vector<1x16xi32>,
      %get3A_225 = vector.shape_cast %get3A_224 : vector<1x16xi32> to vector<16xi32>
      %swap3A_226 = arith.constant 16 : index
      %swap3A_227 = tpu.vector_load %arg15[%swap3A_226] {strides = array<i32>} : memref<64xi32, #tpu.memory_space<vmem>>, vector<16xi32>,
      %swap3A_228 = vector.shape_cast %swap3A_227 : vector<16xi32> to vector<16xi32>
      %swap3A_229 = vector.shape_cast %get3A_225 : vector<16xi32> to vector<16xi32>
      tpu.vector_store %arg15[%swap3A_226], %swap3A_229 {strides = array<i32>} : memref<64xi32, #tpu.memory_space<vmem>>, vector<16xi32>,
      %get3A_230 = arith.constant 0 : i32
      %get3A_231 = arith.index_cast %get3A_230 : i32 to index
      %get3A_232 = arith.constant 32 : index
      %get3A_233 = tpu.vector_load %arg11[%get3A_231, %get3A_232] {strides = array<i32>} : memref<2x64xi32, #tpu.memory_space<vmem>>, vector<1x16xi32>,
      %get3A_234 = vector.shape_cast %get3A_233 : vector<1x16xi32> to vector<16xi32>
      %swap3A_235 = arith.constant 32 : index
      %swap3A_236 = tpu.vector_load %arg13[%swap3A_235] {strides = array<i32>} : memref<64xi32, #tpu.memory_space<vmem>>, vector<16xi32>,
      %swap3A_237 = vector.shape_cast %swap3A_236 : vector<16xi32> to vector<16xi32>
      %swap3A_238 = vector.shape_cast %get3A_234 : vector<16xi32> to vector<16xi32>
      tpu.vector_store %arg13[%swap3A_235], %swap3A_238 {strides = array<i32>} : memref<64xi32, #tpu.memory_space<vmem>>, vector<16xi32>,
      %get3A_239 = arith.constant 1 : i32
      %get3A_240 = arith.index_cast %get3A_239 : i32 to index
      %get3A_241 = arith.constant 32 : index
      %get3A_242 = tpu.vector_load %arg11[%get3A_240, %get3A_241] {strides = array<i32>} : memref<2x64xi32, #tpu.memory_space<vmem>>, vector<1x16xi32>,
      %get3A_243 = vector.shape_cast %get3A_242 : vector<1x16xi32> to vector<16xi32>
      %swap3A_244 = arith.constant 32 : index
      %swap3A_245 = tpu.vector_load %arg15[%swap3A_244] {strides = array<i32>} : memref<64xi32, #tpu.memory_space<vmem>>, vector<16xi32>,
      %swap3A_246 = vector.shape_cast %swap3A_245 : vector<16xi32> to vector<16xi32>
      %swap3A_247 = vector.shape_cast %get3A_243 : vector<16xi32> to vector<16xi32>
      tpu.vector_store %arg15[%swap3A_244], %swap3A_247 {strides = array<i32>} : memref<64xi32, #tpu.memory_space<vmem>>, vector<16xi32>,
      %get3A_248 = arith.constant 0 : i32
      %get3A_249 = arith.index_cast %get3A_248 : i32 to index
      %get3A_250 = arith.constant 48 : index
      %get3A_251 = tpu.vector_load %arg11[%get3A_249, %get3A_250] {strides = array<i32>} : memref<2x64xi32, #tpu.memory_space<vmem>>, vector<1x16xi32>,
      %get3A_252 = vector.shape_cast %get3A_251 : vector<1x16xi32> to vector<16xi32>
      %swap3A_253 = arith.constant 48 : index
      %swap3A_254 = tpu.vector_load %arg13[%swap3A_253] {strides = array<i32>} : memref<64xi32, #tpu.memory_space<vmem>>, vector<16xi32>,
      %swap3A_255 = vector.shape_cast %swap3A_254 : vector<16xi32> to vector<16xi32>
      %swap3A_256 = vector.shape_cast %get3A_252 : vector<16xi32> to vector<16xi32>
      tpu.vector_store %arg13[%swap3A_253], %swap3A_256 {strides = array<i32>} : memref<64xi32, #tpu.memory_space<vmem>>, vector<16xi32>,
      %get3A_257 = arith.constant 1 : i32
      %get3A_258 = arith.index_cast %get3A_257 : i32 to index
      %get3A_259 = arith.constant 48 : index
      %get3A_260 = tpu.vector_load %arg11[%get3A_258, %get3A_259] {strides = array<i32>} : memref<2x64xi32, #tpu.memory_space<vmem>>, vector<1x16xi32>,
      %get3A_261 = vector.shape_cast %get3A_260 : vector<1x16xi32> to vector<16xi32>
      %swap3A_262 = arith.constant 48 : index
      %swap3A_263 = tpu.vector_load %arg15[%swap3A_262] {strides = array<i32>} : memref<64xi32, #tpu.memory_space<vmem>>, vector<16xi32>,
      %swap3A_264 = vector.shape_cast %swap3A_263 : vector<16xi32> to vector<16xi32>
      %swap3A_265 = vector.shape_cast %get3A_261 : vector<16xi32> to vector<16xi32>
      tpu.vector_store %arg15[%swap3A_262], %swap3A_265 {strides = array<i32>} : memref<64xi32, #tpu.memory_space<vmem>>, vector<16xi32>,
      %lt3A_266 = arith.constant 156 : i32
      %lt3A_267 = arith.cmpi slt, %scan3A_83, %lt3A_266 : i32
      %convert_element_type3A_268 = arith.extui %lt3A_267 : i1 to i32
      %cond3A_269 = arith.constant 0 : i32
      %cond3A_270 = arith.cmpi ne, %convert_element_type3A_268, %cond3A_269 : i32
      scf.if %cond3A_270 {
        %add3A_296 = arith.constant 2 : i32
        %add3A_297 = arith.addi %add3A_180, %add3A_296 : i32
        %dma_start3A_298 = arith.constant 0 : i32
        %dma_start3A_299 = arith.constant 0 : i32
        %dma_start3A_300 = tpu.memref_slice %arg4[%add3A_297, %dma_start3A_298, %dma_start3A_299] : memref<5024x2x64xi32, #tpu.memory_space<hbm>> -> memref<1x2x64xi32, #tpu.memory_space<hbm>>
        %dma_start3A_301 = tpu.memref_squeeze %dma_start3A_300 : memref<1x2x64xi32, #tpu.memory_space<hbm>> -> memref<2x64xi32, #tpu.memory_space<hbm>>
        %dma_start3A_302 = arith.constant 0 : i32
        %dma_start3A_303 = arith.constant 0 : i32
        %dma_start3A_304 = tpu.memref_slice %arg4[%add3A_297, %dma_start3A_302, %dma_start3A_303] : memref<5024x2x64xi32, #tpu.memory_space<hbm>> -> memref<1x2x64xi32, #tpu.memory_space<hbm>>
        %dma_start3A_305 = tpu.memref_squeeze %dma_start3A_304 : memref<1x2x64xi32, #tpu.memory_space<hbm>> -> memref<2x64xi32, #tpu.memory_space<hbm>>
        tpu.enqueue_dma source(%dma_start3A_305 : memref<2x64xi32, #tpu.memory_space<hbm>>) target(%arg11 : memref<2x64xi32, #tpu.memory_space<vmem>>) target_semaphore(%arg22 : memref<!tpu.dma_semaphore, #tpu.memory_space<semaphore_mem>>)
      } else {
      }
      %dma_start3A_271 = arith.constant 0 : i32
      %dma_start3A_272 = arith.constant 0 : i32
      %dma_start3A_273 = tpu.memref_slice %arg21[%dma_start3A_271, %dma_start3A_272] : memref<10000x64xf32, #tpu.memory_space<vmem_shared>> -> memref<10000x64xf32, #tpu.memory_space<vmem_shared>>
      tpu.enqueue_indirect_dma source(%dma_start3A_273 : memref<10000x64xf32, #tpu.memory_space<vmem_shared>>) target(%arg17 : memref<64x64xf32, #tpu.memory_space<vmem>>) offsets(%arg13 : memref<64xi32, #tpu.memory_space<vmem>>) semaphore(%arg23 : memref<!tpu.dma_semaphore, #tpu.memory_space<semaphore_mem>>)
      %dma_wait3A_274 = arith.constant 0 : i32
      %dma_wait3A_275 = arith.constant 0 : i32
      %dma_wait3A_276 = tpu.memref_slice %arg21[%dma_wait3A_274, %dma_wait3A_275] : memref<10000x64xf32, #tpu.memory_space<vmem_shared>> -> memref<10000x64xf32, #tpu.memory_space<vmem_shared>>
      tpu.wait_indirect_dma semaphore(%arg23 : memref<!tpu.dma_semaphore, #tpu.memory_space<semaphore_mem>>) src(%dma_wait3A_276 : memref<10000x64xf32, #tpu.memory_space<vmem_shared>>) dst(%arg16 : memref<64x64xf32, #tpu.memory_space<vmem>>)
      %dma_start3A_277 = arith.constant 0 : i32
      %dma_start3A_278 = arith.constant 0 : i32
      %dma_start3A_279 = tpu.memref_slice %arg19[%dma_start3A_277, %dma_start3A_278] : memref<20096x64xf32, #tpu.memory_space<vmem_shared>> -> memref<20096x64xf32, #tpu.memory_space<vmem_shared>>
      tpu.enqueue_indirect_dma source(%arg16 : memref<64x64xf32, #tpu.memory_space<vmem>>) target(%dma_start3A_279 : memref<20096x64xf32, #tpu.memory_space<vmem_shared>>) offsets(%arg14 : memref<64xi32, #tpu.memory_space<vmem>>) semaphore(%arg24 : memref<!tpu.dma_semaphore, #tpu.memory_space<semaphore_mem>>) {add = true}
      %eq3A_280 = arith.constant 0 : i32
      %eq3A_281 = arith.cmpi eq, %arg0, %eq3A_280 : i32
      %convert_element_type3A_282 = arith.extui %eq3A_281 : i1 to i32
      %cond3A_283 = arith.constant 0 : i32
      %cond3A_284 = arith.cmpi ne, %convert_element_type3A_282, %cond3A_283 : i32
      scf.if %cond3A_284 {
        %dma_start3A_296 = arith.constant 0 : i32
        %dma_start3A_297 = tpu.memref_slice %arg20[%dma_start3A_296] : memref<20096xf32, #tpu.memory_space<vmem_shared>> -> memref<20096xf32, #tpu.memory_space<vmem_shared>>
        tpu.enqueue_indirect_dma source(%arg18 : memref<64xf32, #tpu.memory_space<vmem>>) target(%dma_start3A_297 : memref<20096xf32, #tpu.memory_space<vmem_shared>>) offsets(%arg14 : memref<64xi32, #tpu.memory_space<vmem>>) semaphore(%arg25 : memref<!tpu.dma_semaphore, #tpu.memory_space<semaphore_mem>>) {add = true}
      } else {
      }
      %dma_wait3A_285 = arith.constant 0 : i32
      %dma_wait3A_286 = arith.constant 0 : i32
      %dma_wait3A_287 = tpu.memref_slice %arg21[%dma_wait3A_285, %dma_wait3A_286] : memref<10000x64xf32, #tpu.memory_space<vmem_shared>> -> memref<10000x64xf32, #tpu.memory_space<vmem_shared>>
      tpu.wait_indirect_dma semaphore(%arg23 : memref<!tpu.dma_semaphore, #tpu.memory_space<semaphore_mem>>) src(%dma_wait3A_287 : memref<10000x64xf32, #tpu.memory_space<vmem_shared>>) dst(%arg17 : memref<64x64xf32, #tpu.memory_space<vmem>>)
      %dma_start3A_288 = arith.constant 0 : i32
      %dma_start3A_289 = arith.constant 0 : i32
      %dma_start3A_290 = tpu.memref_slice %arg19[%dma_start3A_288, %dma_start3A_289] : memref<20096x64xf32, #tpu.memory_space<vmem_shared>> -> memref<20096x64xf32, #tpu.memory_space<vmem_shared>>
      tpu.enqueue_indirect_dma source(%arg17 : memref<64x64xf32, #tpu.memory_space<vmem>>) target(%dma_start3A_290 : memref<20096x64xf32, #tpu.memory_space<vmem_shared>>) offsets(%arg15 : memref<64xi32, #tpu.memory_space<vmem>>) semaphore(%arg24 : memref<!tpu.dma_semaphore, #tpu.memory_space<semaphore_mem>>) {add = true}
      %eq3A_291 = arith.constant 0 : i32
      %eq3A_292 = arith.cmpi eq, %arg0, %eq3A_291 : i32
      %convert_element_type3A_293 = arith.extui %eq3A_292 : i1 to i32
      %cond3A_294 = arith.constant 0 : i32
      %cond3A_295 = arith.cmpi ne, %convert_element_type3A_293, %cond3A_294 : i32
      scf.if %cond3A_295 {
        %dma_start3A_296 = arith.constant 0 : i32
        %dma_start3A_297 = tpu.memref_slice %arg20[%dma_start3A_296] : memref<20096xf32, #tpu.memory_space<vmem_shared>> -> memref<20096xf32, #tpu.memory_space<vmem_shared>>
        tpu.enqueue_indirect_dma source(%arg18 : memref<64xf32, #tpu.memory_space<vmem>>) target(%dma_start3A_297 : memref<20096xf32, #tpu.memory_space<vmem_shared>>) offsets(%arg15 : memref<64xi32, #tpu.memory_space<vmem>>) semaphore(%arg25 : memref<!tpu.dma_semaphore, #tpu.memory_space<semaphore_mem>>) {add = true}
      } else {
      }
    }
    %scan3A_57 = arith.constant 157 : i32
    %dma_wait3A_58 = arith.constant 0 : i32
    %dma_wait3A_59 = arith.constant 0 : i32
    %dma_wait3A_60 = tpu.memref_slice %arg19[%dma_wait3A_58, %dma_wait3A_59] : memref<20096x64xf32, #tpu.memory_space<vmem_shared>> -> memref<20096x64xf32, #tpu.memory_space<vmem_shared>>
    tpu.wait_indirect_dma semaphore(%arg24 : memref<!tpu.dma_semaphore, #tpu.memory_space<semaphore_mem>>) src(%arg16 : memref<64x64xf32, #tpu.memory_space<vmem>>) dst(%dma_wait3A_60 : memref<20096x64xf32, #tpu.memory_space<vmem_shared>>)
    %eq3A_61 = arith.constant 0 : i32
    %eq3A_62 = arith.cmpi eq, %arg0, %eq3A_61 : i32
    %convert_element_type3A_63 = arith.extui %eq3A_62 : i1 to i32
    %cond3A_64 = arith.constant 0 : i32
    %cond3A_65 = arith.cmpi ne, %convert_element_type3A_63, %cond3A_64 : i32
    scf.if %cond3A_65 {
      %dma_wait3A_83 = arith.constant 0 : i32
      %dma_wait3A_84 = tpu.memref_slice %arg20[%dma_wait3A_83] : memref<20096xf32, #tpu.memory_space<vmem_shared>> -> memref<20096xf32, #tpu.memory_space<vmem_shared>>
      tpu.wait_indirect_dma semaphore(%arg25 : memref<!tpu.dma_semaphore, #tpu.memory_space<semaphore_mem>>) src(%arg18 : memref<64xf32, #tpu.memory_space<vmem>>) dst(%dma_wait3A_84 : memref<20096xf32, #tpu.memory_space<vmem_shared>>)
    } else {
    }
    %dma_wait3A_66 = arith.constant 0 : i32
    %dma_wait3A_67 = arith.constant 0 : i32
    %dma_wait3A_68 = tpu.memref_slice %arg19[%dma_wait3A_66, %dma_wait3A_67] : memref<20096x64xf32, #tpu.memory_space<vmem_shared>> -> memref<20096x64xf32, #tpu.memory_space<vmem_shared>>
    tpu.wait_indirect_dma semaphore(%arg24 : memref<!tpu.dma_semaphore, #tpu.memory_space<semaphore_mem>>) src(%arg17 : memref<64x64xf32, #tpu.memory_space<vmem>>) dst(%dma_wait3A_68 : memref<20096x64xf32, #tpu.memory_space<vmem_shared>>)
    %eq3A_69 = arith.constant 0 : i32
    %eq3A_70 = arith.cmpi eq, %arg0, %eq3A_69 : i32
    %convert_element_type3A_71 = arith.extui %eq3A_70 : i1 to i32
    %cond3A_72 = arith.constant 0 : i32
    %cond3A_73 = arith.cmpi ne, %convert_element_type3A_71, %cond3A_72 : i32
    scf.if %cond3A_73 {
      %dma_wait3A_83 = arith.constant 0 : i32
      %dma_wait3A_84 = tpu.memref_slice %arg20[%dma_wait3A_83] : memref<20096xf32, #tpu.memory_space<vmem_shared>> -> memref<20096xf32, #tpu.memory_space<vmem_shared>>
      tpu.wait_indirect_dma semaphore(%arg25 : memref<!tpu.dma_semaphore, #tpu.memory_space<semaphore_mem>>) src(%arg18 : memref<64xf32, #tpu.memory_space<vmem>>) dst(%dma_wait3A_84 : memref<20096xf32, #tpu.memory_space<vmem_shared>>)
    } else {
    }
    %barrier3A_74 = arith.constant 0 : index
    tpu.barrier barrier_id(%barrier3A_74)
    %mul3A_75 = arith.constant 20096 : i32
    %mul3A_76 = arith.muli %arg0, %mul3A_75 : i32
    %add3A_77 = arith.addi %mul3A_76, %mul3A_0 : i32
    "tpu.region"() ({
      %run_scoped3A = tpu.sem_alloc : memref<!tpu.dma_semaphore, #tpu.memory_space<semaphore_mem>>
      %dma_start3A_83 = arith.constant 0 : i32
      %dma_start3A_84 = tpu.memref_slice %arg8[%add3A_77, %dma_start3A_83] : memref<40192x64xf32, #tpu.memory_space<hbm>> -> memref<1256x64xf32, #tpu.memory_space<hbm>>
      %dma_start3A_85 = arith.constant 0 : i32
      %dma_start3A_86 = tpu.memref_slice %arg19[%mul3A_0, %dma_start3A_85] : memref<20096x64xf32, #tpu.memory_space<vmem_shared>> -> memref<1256x64xf32, #tpu.memory_space<vmem_shared>>
      tpu.enqueue_dma source(%dma_start3A_86 : memref<1256x64xf32, #tpu.memory_space<vmem_shared>>) target(%dma_start3A_84 : memref<1256x64xf32, #tpu.memory_space<hbm>>) target_semaphore(%run_scoped3A : memref<!tpu.dma_semaphore, #tpu.memory_space<semaphore_mem>>)
      %dma_wait3A_87 = arith.constant 0 : i32
      %dma_wait3A_88 = tpu.memref_slice %arg8[%add3A_77, %dma_wait3A_87] : memref<40192x64xf32, #tpu.memory_space<hbm>> -> memref<1256x64xf32, #tpu.memory_space<hbm>>
      %dma_wait3A_89 = arith.constant 0 : i32
      %dma_wait3A_90 = tpu.memref_slice %arg19[%mul3A_0, %dma_wait3A_89] : memref<20096x64xf32, #tpu.memory_space<vmem_shared>> -> memref<1256x64xf32, #tpu.memory_space<vmem_shared>>
      tpu.wait_dma2 semaphore(%run_scoped3A : memref<!tpu.dma_semaphore, #tpu.memory_space<semaphore_mem>>) src(%dma_wait3A_90 : memref<1256x64xf32, #tpu.memory_space<vmem_shared>>) dst(%dma_wait3A_88 : memref<1256x64xf32, #tpu.memory_space<hbm>>)
      tpu.yield
    }) : () -> ()
    %eq3A_78 = arith.constant 0 : i32
    %eq3A_79 = arith.cmpi eq, %arg0, %eq3A_78 : i32
    %convert_element_type3A_80 = arith.extui %eq3A_79 : i1 to i32
    %cond3A_81 = arith.constant 0 : i32
    %cond3A_82 = arith.cmpi ne, %convert_element_type3A_80, %cond3A_81 : i32
    scf.if %cond3A_82 {
      "tpu.region"() ({
        %run_scoped3A = tpu.sem_alloc : memref<!tpu.dma_semaphore, #tpu.memory_space<semaphore_mem>>
        %dma_start3A_83 = tpu.memref_slice %arg9[%mul3A_0] : memref<20096xf32, #tpu.memory_space<hbm>> -> memref<1256xf32, #tpu.memory_space<hbm>>
        %dma_start3A_84 = tpu.memref_slice %arg20[%mul3A_0] : memref<20096xf32, #tpu.memory_space<vmem_shared>> -> memref<1256xf32, #tpu.memory_space<vmem_shared>>
        tpu.enqueue_dma source(%dma_start3A_84 : memref<1256xf32, #tpu.memory_space<vmem_shared>>) target(%dma_start3A_83 : memref<1256xf32, #tpu.memory_space<hbm>>) target_semaphore(%run_scoped3A : memref<!tpu.dma_semaphore, #tpu.memory_space<semaphore_mem>>)
        %dma_wait3A_85 = tpu.memref_slice %arg9[%mul3A_0] : memref<20096xf32, #tpu.memory_space<hbm>> -> memref<1256xf32, #tpu.memory_space<hbm>>
        %dma_wait3A_86 = tpu.memref_slice %arg20[%mul3A_0] : memref<20096xf32, #tpu.memory_space<vmem_shared>> -> memref<1256xf32, #tpu.memory_space<vmem_shared>>
        tpu.wait_dma2 semaphore(%run_scoped3A : memref<!tpu.dma_semaphore, #tpu.memory_space<semaphore_mem>>) src(%dma_wait3A_86 : memref<1256xf32, #tpu.memory_space<vmem_shared>>) dst(%dma_wait3A_85 : memref<1256xf32, #tpu.memory_space<hbm>>)
        tpu.yield
      }) : () -> ()
    } else {
    }
    return
  }
}

module attributes {stable_mosaic.version = 14 : i64} {
  func.func @body(%arg0: i32, %arg1: memref<1000x768xf32, #tpu.memory_space<vmem>>, %arg2: memref<1000x768xf32, #tpu.memory_space<vmem>>, %arg3: memref<768x64xf32, #tpu.memory_space<vmem>>, %arg4: memref<1x64xf32, #tpu.memory_space<vmem>>, %arg5: memref<768x64xf32, #tpu.memory_space<vmem>>, %arg6: memref<1x64xf32, #tpu.memory_space<vmem>>, %arg7: memref<128x128xf32, #tpu.memory_space<vmem>>, %arg8: memref<1x128xf32, #tpu.memory_space<vmem>>, %arg9: memref<1000x128xf32, #tpu.memory_space<vmem>>, %arg10: memref<1000x64xf32, #tpu.memory_space<vmem>>, %arg11: memref<1000x64xf32, #tpu.memory_space<vmem>>) attributes {dimension_semantics = [#tpu.dimension_semantics<arbitrary>], iteration_bounds = array<i64: 10>, scalar_prefetch = 0 : i64, scratch_operands = 0 : i64, tpu.core_type = #tpu.core_type<tc>, window_params = [{transform_indices = @transform_0, window_bounds = array<i64: 1000, 768>}, {transform_indices = @transform_1, window_bounds = array<i64: 1000, 768>}, {pipeline_mode = #tpu.pipeline_mode<synchronous>, transform_indices = @transform_2, window_bounds = array<i64: 768, 64>}, {pipeline_mode = #tpu.pipeline_mode<synchronous>, transform_indices = @transform_3, window_bounds = array<i64: 1, 64>}, {pipeline_mode = #tpu.pipeline_mode<synchronous>, transform_indices = @transform_4, window_bounds = array<i64: 768, 64>}, {pipeline_mode = #tpu.pipeline_mode<synchronous>, transform_indices = @transform_5, window_bounds = array<i64: 1, 64>}, {pipeline_mode = #tpu.pipeline_mode<synchronous>, transform_indices = @transform_6, window_bounds = array<i64: 128, 128>}, {pipeline_mode = #tpu.pipeline_mode<synchronous>, transform_indices = @transform_7, window_bounds = array<i64: 1, 128>}, {transform_indices = @transform_8, window_bounds = array<i64: 1000, 128>}, {transform_indices = @transform_9, window_bounds = array<i64: 1000, 64>}, {transform_indices = @transform_10, window_bounds = array<i64: 1000, 64>}]} {
    %get3A = arith.constant 0 : index
    %get3A_0 = arith.constant 0 : index
    %get3A_1 = vector.load %arg1[%get3A, %get3A_0] : memref<1000x768xf32, #tpu.memory_space<vmem>>, vector<1000x768xf32>
    %get3A_2 = arith.constant 0 : index
    %get3A_3 = arith.constant 0 : index
    %get3A_4 = vector.load %arg3[%get3A_2, %get3A_3] : memref<768x64xf32, #tpu.memory_space<vmem>>, vector<768x64xf32>
    %dot_general3A = arith.constant dense<0.000000e+00> : vector<1000x64xf32>
    %dot_general3A_5 = tpu.matmul %get3A_1, %get3A_4, %dot_general3A {dimension_numbers = #tpu.dot_dimension_numbers<[1], [0], [0], [1], [0, 0, 1, 1], [], []>, transpose_lhs_hint = false} : vector<1000x768xf32>, vector<768x64xf32>, vector<1000x64xf32> -> vector<1000x64xf32>
    %get3A_6 = arith.constant 0 : index
    %get3A_7 = arith.constant 0 : index
    %get3A_8 = vector.load %arg4[%get3A_6, %get3A_7] : memref<1x64xf32, #tpu.memory_space<vmem>>, vector<1x64xf32>
    %add3A = vector.broadcast %get3A_8 : vector<1x64xf32> to vector<1000x64xf32>
    %add3A_9 = arith.addf %dot_general3A_5, %add3A : vector<1000x64xf32>
    %jit3A = arith.constant 0.00999999977 : f32
    %ge3A = arith.constant 0.000000e+00 : f32
    %ge3A_10 = vector.broadcast %ge3A : f32 to vector<1000x64xf32>
    %ge3A_11 = arith.cmpf oge, %add3A_9, %ge3A_10 : vector<1000x64xf32>
    %mul3A = vector.broadcast %jit3A : f32 to vector<1000x64xf32>
    %mul3A_12 = arith.mulf %mul3A, %add3A_9 : vector<1000x64xf32>
    %select_n3A = arith.select %ge3A_11, %add3A_9, %mul3A_12 : vector<1000x64xi1>, vector<1000x64xf32>
    %get3A_13 = arith.constant 0 : index
    %get3A_14 = arith.constant 0 : index
    %get3A_15 = vector.load %arg2[%get3A_13, %get3A_14] : memref<1000x768xf32, #tpu.memory_space<vmem>>, vector<1000x768xf32>
    %get3A_16 = arith.constant 0 : index
    %get3A_17 = arith.constant 0 : index
    %get3A_18 = vector.load %arg5[%get3A_16, %get3A_17] : memref<768x64xf32, #tpu.memory_space<vmem>>, vector<768x64xf32>
    %dot_general3A_19 = arith.constant dense<0.000000e+00> : vector<1000x64xf32>
    %dot_general3A_20 = tpu.matmul %get3A_15, %get3A_18, %dot_general3A_19 {dimension_numbers = #tpu.dot_dimension_numbers<[1], [0], [0], [1], [0, 0, 1, 1], [], []>, transpose_lhs_hint = false} : vector<1000x768xf32>, vector<768x64xf32>, vector<1000x64xf32> -> vector<1000x64xf32>
    %get3A_21 = arith.constant 0 : index
    %get3A_22 = arith.constant 0 : index
    %get3A_23 = vector.load %arg6[%get3A_21, %get3A_22] : memref<1x64xf32, #tpu.memory_space<vmem>>, vector<1x64xf32>
    %add3A_24 = vector.broadcast %get3A_23 : vector<1x64xf32> to vector<1000x64xf32>
    %add3A_25 = arith.addf %dot_general3A_20, %add3A_24 : vector<1000x64xf32>
    %jit3A_26 = arith.constant 0.00999999977 : f32
    %ge3A_27 = arith.constant 0.000000e+00 : f32
    %ge3A_28 = vector.broadcast %ge3A_27 : f32 to vector<1000x64xf32>
    %ge3A_29 = arith.cmpf oge, %add3A_25, %ge3A_28 : vector<1000x64xf32>
    %mul3A_30 = vector.broadcast %jit3A_26 : f32 to vector<1000x64xf32>
    %mul3A_31 = arith.mulf %mul3A_30, %add3A_25 : vector<1000x64xf32>
    %select_n3A_32 = arith.select %ge3A_29, %add3A_25, %mul3A_31 : vector<1000x64xi1>, vector<1000x64xf32>
    %concatenate3A = tpu.concatenate %select_n3A, %select_n3A_32 in 1 : vector<1000x64xf32>, vector<1000x64xf32> -> vector<1000x128xf32>
    %get3A_33 = arith.constant 0 : index
    %get3A_34 = arith.constant 0 : index
    %get3A_35 = vector.load %arg7[%get3A_33, %get3A_34] : memref<128x128xf32, #tpu.memory_space<vmem>>, vector<128x128xf32>
    %dot_general3A_36 = arith.constant dense<0.000000e+00> : vector<1000x128xf32>
    %dot_general3A_37 = tpu.matmul %concatenate3A, %get3A_35, %dot_general3A_36 {dimension_numbers = #tpu.dot_dimension_numbers<[1], [0], [0], [1], [0, 0, 1, 1], [], []>, transpose_lhs_hint = false} : vector<1000x128xf32>, vector<128x128xf32>, vector<1000x128xf32> -> vector<1000x128xf32>
    %get3A_38 = arith.constant 0 : index
    %get3A_39 = arith.constant 0 : index
    %get3A_40 = vector.load %arg8[%get3A_38, %get3A_39] : memref<1x128xf32, #tpu.memory_space<vmem>>, vector<1x128xf32>
    %add3A_41 = vector.broadcast %get3A_40 : vector<1x128xf32> to vector<1000x128xf32>
    %add3A_42 = arith.addf %dot_general3A_37, %add3A_41 : vector<1000x128xf32>
    %jit3A_43 = arith.constant 0.00999999977 : f32
    %ge3A_44 = arith.constant 0.000000e+00 : f32
    %ge3A_45 = vector.broadcast %ge3A_44 : f32 to vector<1000x128xf32>
    %ge3A_46 = arith.cmpf oge, %add3A_42, %ge3A_45 : vector<1000x128xf32>
    %mul3A_47 = vector.broadcast %jit3A_43 : f32 to vector<1000x128xf32>
    %mul3A_48 = arith.mulf %mul3A_47, %add3A_42 : vector<1000x128xf32>
    %select_n3A_49 = arith.select %ge3A_46, %add3A_42, %mul3A_48 : vector<1000x128xi1>, vector<1000x128xf32>
    %swap3A = arith.constant 0 : index
    %swap3A_50 = arith.constant 0 : index
    %swap3A_51 = vector.load %arg9[%swap3A, %swap3A_50] : memref<1000x128xf32, #tpu.memory_space<vmem>>, vector<1000x128xf32>
    tpu.vector_store %arg9[%swap3A, %swap3A_50], %select_n3A_49 {strides = array<i32>} : memref<1000x128xf32, #tpu.memory_space<vmem>>, vector<1000x128xf32>,
    %convert_element_type3A = arith.truncf %select_n3A_49 : vector<1000x128xf32> to vector<1000x128xbf16>
    %convert_element_type3A_52 = arith.extf %convert_element_type3A : vector<1000x128xbf16> to vector<1000x128xf32>
    %slice3A = vector.extract_strided_slice %convert_element_type3A_52 {offsets = [0, 0], sizes = [1000, 64], strides = [1, 1]} : vector<1000x128xf32> to vector<1000x64xf32>
    %swap3A_53 = arith.constant 0 : index
    %swap3A_54 = arith.constant 0 : index
    %swap3A_55 = vector.load %arg10[%swap3A_53, %swap3A_54] : memref<1000x64xf32, #tpu.memory_space<vmem>>, vector<1000x64xf32>
    tpu.vector_store %arg10[%swap3A_53, %swap3A_54], %slice3A {strides = array<i32>} : memref<1000x64xf32, #tpu.memory_space<vmem>>, vector<1000x64xf32>,
    %slice3A_56 = vector.extract_strided_slice %convert_element_type3A_52 {offsets = [0, 64], sizes = [1000, 64], strides = [1, 1]} : vector<1000x128xf32> to vector<1000x64xf32>
    %swap3A_57 = arith.constant 0 : index
    %swap3A_58 = arith.constant 0 : index
    %swap3A_59 = vector.load %arg11[%swap3A_57, %swap3A_58] : memref<1000x64xf32, #tpu.memory_space<vmem>>, vector<1000x64xf32>
    tpu.vector_store %arg11[%swap3A_57, %swap3A_58], %slice3A_56 {strides = array<i32>} : memref<1000x64xf32, #tpu.memory_space<vmem>>, vector<1000x64xf32>,
    return
  }
  func.func @transform_0(%arg0: i32) -> (i32, i32) {
    %c0_i32 = arith.constant 0 : i32
    %c0_i32_0 = arith.constant 0 : i32
    return %arg0, %c0_i32 : i32, i32
  }
  func.func @transform_1(%arg0: i32) -> (i32, i32) {
    %c0_i32 = arith.constant 0 : i32
    %c0_i32_0 = arith.constant 0 : i32
    return %arg0, %c0_i32 : i32, i32
  }
  func.func @transform_2(%arg0: i32) -> (i32, i32) {
    %c0_i32 = arith.constant 0 : i32
    %c0_i32_0 = arith.constant 0 : i32
    %c0_i32_1 = arith.constant 0 : i32
    return %c0_i32, %c0_i32_0 : i32, i32
  }
  func.func @transform_3(%arg0: i32) -> (i32, i32) {
    %c0_i32 = arith.constant 0 : i32
    %c0_i32_0 = arith.constant 0 : i32
    %c0_i32_1 = arith.constant 0 : i32
    return %c0_i32, %c0_i32_0 : i32, i32
  }
  func.func @transform_4(%arg0: i32) -> (i32, i32) {
    %c0_i32 = arith.constant 0 : i32
    %c0_i32_0 = arith.constant 0 : i32
    %c0_i32_1 = arith.constant 0 : i32
    return %c0_i32, %c0_i32_0 : i32, i32
  }
  func.func @transform_5(%arg0: i32) -> (i32, i32) {
    %c0_i32 = arith.constant 0 : i32
    %c0_i32_0 = arith.constant 0 : i32
    %c0_i32_1 = arith.constant 0 : i32
    return %c0_i32, %c0_i32_0 : i32, i32
  }
  func.func @transform_6(%arg0: i32) -> (i32, i32) {
    %c0_i32 = arith.constant 0 : i32
    %c0_i32_0 = arith.constant 0 : i32
    %c0_i32_1 = arith.constant 0 : i32
    return %c0_i32, %c0_i32_0 : i32, i32
  }
  func.func @transform_7(%arg0: i32) -> (i32, i32) {
    %c0_i32 = arith.constant 0 : i32
    %c0_i32_0 = arith.constant 0 : i32
    %c0_i32_1 = arith.constant 0 : i32
    return %c0_i32, %c0_i32_0 : i32, i32
  }
  func.func @transform_8(%arg0: i32) -> (i32, i32) {
    %c0_i32 = arith.constant 0 : i32
    %c0_i32_0 = arith.constant 0 : i32
    return %arg0, %c0_i32 : i32, i32
  }
  func.func @transform_9(%arg0: i32) -> (i32, i32) {
    %c0_i32 = arith.constant 0 : i32
    %c0_i32_0 = arith.constant 0 : i32
    return %arg0, %c0_i32 : i32, i32
  }
  func.func @transform_10(%arg0: i32) -> (i32, i32) {
    %c0_i32 = arith.constant 0 : i32
    %c0_i32_0 = arith.constant 0 : i32
    return %arg0, %c0_i32 : i32, i32
  }
}

module attributes {stable_mosaic.version = 14 : i64} {
  func.func @body(%arg0: i32, %arg1: memref<1000x128xf32, #tpu.memory_space<vmem>>, %arg2: memref<1000x64xf32, #tpu.memory_space<vmem>>, %arg3: memref<1000x64xf32, #tpu.memory_space<vmem>>, %arg4: memref<1000x64xf32, #tpu.memory_space<vmem>>, %arg5: memref<1000x64xf32, #tpu.memory_space<vmem>>, %arg6: memref<1000x1xf32, #tpu.memory_space<vmem>>, %arg7: memref<1000x1xf32, #tpu.memory_space<vmem>>, %arg8: memref<128x128xf32, #tpu.memory_space<vmem>>, %arg9: memref<1x128xf32, #tpu.memory_space<vmem>>, %arg10: memref<128x128xf32, #tpu.memory_space<vmem>>, %arg11: memref<128x128xf32, #tpu.memory_space<vmem>>, %arg12: memref<1000x128xf32, #tpu.memory_space<vmem>>, %arg13: memref<1000x64xf32, #tpu.memory_space<vmem>>, %arg14: memref<1000x64xf32, #tpu.memory_space<vmem>>) attributes {dimension_semantics = [#tpu.dimension_semantics<arbitrary>], iteration_bounds = array<i64: 10>, scalar_prefetch = 0 : i64, scratch_operands = 0 : i64, tpu.core_type = #tpu.core_type<tc>, window_params = [{transform_indices = @transform_0, window_bounds = array<i64: 1000, 128>}, {transform_indices = @transform_1, window_bounds = array<i64: 1000, 64>}, {transform_indices = @transform_2, window_bounds = array<i64: 1000, 64>}, {transform_indices = @transform_3, window_bounds = array<i64: 1000, 64>}, {transform_indices = @transform_4, window_bounds = array<i64: 1000, 64>}, {transform_indices = @transform_5, window_bounds = array<i64: 1000, 1>}, {transform_indices = @transform_6, window_bounds = array<i64: 1000, 1>}, {pipeline_mode = #tpu.pipeline_mode<synchronous>, transform_indices = @transform_7, window_bounds = array<i64: 128, 128>}, {pipeline_mode = #tpu.pipeline_mode<synchronous>, transform_indices = @transform_8, window_bounds = array<i64: 1, 128>}, {pipeline_mode = #tpu.pipeline_mode<synchronous>, transform_indices = @transform_9, window_bounds = array<i64: 128, 128>}, {pipeline_mode = #tpu.pipeline_mode<synchronous>, transform_indices = @transform_10, window_bounds = array<i64: 128, 128>}, {transform_indices = @transform_11, window_bounds = array<i64: 1000, 128>}, {transform_indices = @transform_12, window_bounds = array<i64: 1000, 64>}, {transform_indices = @transform_13, window_bounds = array<i64: 1000, 64>}]} {
    %get3A = arith.constant 0 : index
    %get3A_0 = arith.constant 0 : index
    %get3A_1 = vector.load %arg6[%get3A, %get3A_0] : memref<1000x1xf32, #tpu.memory_space<vmem>>, vector<1000x1xf32>
    %max3A = arith.constant 1.000000e+00 : f32
    %max3A_2 = vector.broadcast %max3A : f32 to vector<1000x1xf32>
    %max3A_3 = arith.maximumf %get3A_1, %max3A_2 : vector<1000x1xf32>
    %get3A_4 = arith.constant 0 : index
    %get3A_5 = arith.constant 0 : index
    %get3A_6 = vector.load %arg7[%get3A_4, %get3A_5] : memref<1000x1xf32, #tpu.memory_space<vmem>>, vector<1000x1xf32>
    %max3A_7 = arith.constant 1.000000e+00 : f32
    %max3A_8 = vector.broadcast %max3A_7 : f32 to vector<1000x1xf32>
    %max3A_9 = arith.maximumf %get3A_6, %max3A_8 : vector<1000x1xf32>
    %get3A_10 = arith.constant 0 : index
    %get3A_11 = arith.constant 0 : index
    %get3A_12 = vector.load %arg2[%get3A_10, %get3A_11] : memref<1000x64xf32, #tpu.memory_space<vmem>>, vector<1000x64xf32>
    %get3A_13 = arith.constant 0 : index
    %get3A_14 = arith.constant 0 : index
    %get3A_15 = vector.load %arg3[%get3A_13, %get3A_14] : memref<1000x64xf32, #tpu.memory_space<vmem>>, vector<1000x64xf32>
    %concatenate3A = tpu.concatenate %get3A_12, %get3A_15 in 1 : vector<1000x64xf32>, vector<1000x64xf32> -> vector<1000x128xf32>
    %get3A_16 = arith.constant 0 : index
    %get3A_17 = arith.constant 0 : index
    %get3A_18 = vector.load %arg4[%get3A_16, %get3A_17] : memref<1000x64xf32, #tpu.memory_space<vmem>>, vector<1000x64xf32>
    %get3A_19 = arith.constant 0 : index
    %get3A_20 = arith.constant 0 : index
    %get3A_21 = vector.load %arg5[%get3A_19, %get3A_20] : memref<1000x64xf32, #tpu.memory_space<vmem>>, vector<1000x64xf32>
    %concatenate3A_22 = tpu.concatenate %get3A_18, %get3A_21 in 1 : vector<1000x64xf32>, vector<1000x64xf32> -> vector<1000x128xf32>
    %get3A_23 = arith.constant 0 : index
    %get3A_24 = arith.constant 0 : index
    %get3A_25 = vector.load %arg1[%get3A_23, %get3A_24] : memref<1000x128xf32, #tpu.memory_space<vmem>>, vector<1000x128xf32>
    %get3A_26 = arith.constant 0 : index
    %get3A_27 = arith.constant 0 : index
    %get3A_28 = vector.load %arg8[%get3A_26, %get3A_27] : memref<128x128xf32, #tpu.memory_space<vmem>>, vector<128x128xf32>
    %dot_general3A = arith.constant dense<0.000000e+00> : vector<1000x128xf32>
    %dot_general3A_29 = tpu.matmul %get3A_25, %get3A_28, %dot_general3A {dimension_numbers = #tpu.dot_dimension_numbers<[1], [0], [0], [1], [0, 0, 1, 1], [], []>, transpose_lhs_hint = false} : vector<1000x128xf32>, vector<128x128xf32>, vector<1000x128xf32> -> vector<1000x128xf32>
    %get3A_30 = arith.constant 0 : index
    %get3A_31 = arith.constant 0 : index
    %get3A_32 = vector.load %arg9[%get3A_30, %get3A_31] : memref<1x128xf32, #tpu.memory_space<vmem>>, vector<1x128xf32>
    %add3A = vector.broadcast %get3A_32 : vector<1x128xf32> to vector<1000x128xf32>
    %add3A_33 = arith.addf %dot_general3A_29, %add3A : vector<1000x128xf32>
    %get3A_34 = arith.constant 0 : index
    %get3A_35 = arith.constant 0 : index
    %get3A_36 = vector.load %arg10[%get3A_34, %get3A_35] : memref<128x128xf32, #tpu.memory_space<vmem>>, vector<128x128xf32>
    %dot_general3A_37 = arith.constant dense<0.000000e+00> : vector<1000x128xf32>
    %dot_general3A_38 = tpu.matmul %concatenate3A, %get3A_36, %dot_general3A_37 {dimension_numbers = #tpu.dot_dimension_numbers<[1], [0], [0], [1], [0, 0, 1, 1], [], []>, precision = #tpu.contract_precision<fp32>, transpose_lhs_hint = false} : vector<1000x128xf32>, vector<128x128xf32>, vector<1000x128xf32> -> vector<1000x128xf32>
    %div3A = vector.broadcast %max3A_3 : vector<1000x1xf32> to vector<1000x128xf32>
    %div3A_39 = arith.divf %dot_general3A_38, %div3A : vector<1000x128xf32>
    %add3A_40 = arith.addf %add3A_33, %div3A_39 : vector<1000x128xf32>
    %get3A_41 = arith.constant 0 : index
    %get3A_42 = arith.constant 0 : index
    %get3A_43 = vector.load %arg11[%get3A_41, %get3A_42] : memref<128x128xf32, #tpu.memory_space<vmem>>, vector<128x128xf32>
    %dot_general3A_44 = arith.constant dense<0.000000e+00> : vector<1000x128xf32>
    %dot_general3A_45 = tpu.matmul %concatenate3A_22, %get3A_43, %dot_general3A_44 {dimension_numbers = #tpu.dot_dimension_numbers<[1], [0], [0], [1], [0, 0, 1, 1], [], []>, precision = #tpu.contract_precision<fp32>, transpose_lhs_hint = false} : vector<1000x128xf32>, vector<128x128xf32>, vector<1000x128xf32> -> vector<1000x128xf32>
    %div3A_46 = vector.broadcast %max3A_9 : vector<1000x1xf32> to vector<1000x128xf32>
    %div3A_47 = arith.divf %dot_general3A_45, %div3A_46 : vector<1000x128xf32>
    %add3A_48 = arith.addf %add3A_40, %div3A_47 : vector<1000x128xf32>
    %swap3A = arith.constant 0 : index
    %swap3A_49 = arith.constant 0 : index
    %swap3A_50 = vector.load %arg12[%swap3A, %swap3A_49] : memref<1000x128xf32, #tpu.memory_space<vmem>>, vector<1000x128xf32>
    tpu.vector_store %arg12[%swap3A, %swap3A_49], %add3A_48 {strides = array<i32>} : memref<1000x128xf32, #tpu.memory_space<vmem>>, vector<1000x128xf32>,
    %convert_element_type3A = arith.truncf %add3A_48 : vector<1000x128xf32> to vector<1000x128xbf16>
    %convert_element_type3A_51 = arith.extf %convert_element_type3A : vector<1000x128xbf16> to vector<1000x128xf32>
    %slice3A = vector.extract_strided_slice %convert_element_type3A_51 {offsets = [0, 0], sizes = [1000, 64], strides = [1, 1]} : vector<1000x128xf32> to vector<1000x64xf32>
    %swap3A_52 = arith.constant 0 : index
    %swap3A_53 = arith.constant 0 : index
    %swap3A_54 = vector.load %arg13[%swap3A_52, %swap3A_53] : memref<1000x64xf32, #tpu.memory_space<vmem>>, vector<1000x64xf32>
    tpu.vector_store %arg13[%swap3A_52, %swap3A_53], %slice3A {strides = array<i32>} : memref<1000x64xf32, #tpu.memory_space<vmem>>, vector<1000x64xf32>,
    %slice3A_55 = vector.extract_strided_slice %convert_element_type3A_51 {offsets = [0, 64], sizes = [1000, 64], strides = [1, 1]} : vector<1000x128xf32> to vector<1000x64xf32>
    %swap3A_56 = arith.constant 0 : index
    %swap3A_57 = arith.constant 0 : index
    %swap3A_58 = vector.load %arg14[%swap3A_56, %swap3A_57] : memref<1000x64xf32, #tpu.memory_space<vmem>>, vector<1000x64xf32>
    tpu.vector_store %arg14[%swap3A_56, %swap3A_57], %slice3A_55 {strides = array<i32>} : memref<1000x64xf32, #tpu.memory_space<vmem>>, vector<1000x64xf32>,
    return
  }
  func.func @transform_0(%arg0: i32) -> (i32, i32) {
    %c0_i32 = arith.constant 0 : i32
    %c0_i32_0 = arith.constant 0 : i32
    return %arg0, %c0_i32 : i32, i32
  }
  func.func @transform_1(%arg0: i32) -> (i32, i32) {
    %c0_i32 = arith.constant 0 : i32
    %c0_i32_0 = arith.constant 0 : i32
    return %arg0, %c0_i32 : i32, i32
  }
  func.func @transform_2(%arg0: i32) -> (i32, i32) {
    %c0_i32 = arith.constant 0 : i32
    %c0_i32_0 = arith.constant 0 : i32
    return %arg0, %c0_i32 : i32, i32
  }
  func.func @transform_3(%arg0: i32) -> (i32, i32) {
    %c0_i32 = arith.constant 0 : i32
    %c0_i32_0 = arith.constant 0 : i32
    return %arg0, %c0_i32 : i32, i32
  }
  func.func @transform_4(%arg0: i32) -> (i32, i32) {
    %c0_i32 = arith.constant 0 : i32
    %c0_i32_0 = arith.constant 0 : i32
    return %arg0, %c0_i32 : i32, i32
  }
  func.func @transform_5(%arg0: i32) -> (i32, i32) {
    %c0_i32 = arith.constant 0 : i32
    %c0_i32_0 = arith.constant 0 : i32
    return %arg0, %c0_i32 : i32, i32
  }
  func.func @transform_6(%arg0: i32) -> (i32, i32) {
    %c0_i32 = arith.constant 0 : i32
    %c0_i32_0 = arith.constant 0 : i32
    return %arg0, %c0_i32 : i32, i32
  }
  func.func @transform_7(%arg0: i32) -> (i32, i32) {
    %c0_i32 = arith.constant 0 : i32
    %c0_i32_0 = arith.constant 0 : i32
    %c0_i32_1 = arith.constant 0 : i32
    return %c0_i32, %c0_i32_0 : i32, i32
  }
  func.func @transform_8(%arg0: i32) -> (i32, i32) {
    %c0_i32 = arith.constant 0 : i32
    %c0_i32_0 = arith.constant 0 : i32
    %c0_i32_1 = arith.constant 0 : i32
    return %c0_i32, %c0_i32_0 : i32, i32
  }
  func.func @transform_9(%arg0: i32) -> (i32, i32) {
    %c0_i32 = arith.constant 0 : i32
    %c0_i32_0 = arith.constant 0 : i32
    %c0_i32_1 = arith.constant 0 : i32
    return %c0_i32, %c0_i32_0 : i32, i32
  }
  func.func @transform_10(%arg0: i32) -> (i32, i32) {
    %c0_i32 = arith.constant 0 : i32
    %c0_i32_0 = arith.constant 0 : i32
    %c0_i32_1 = arith.constant 0 : i32
    return %c0_i32, %c0_i32_0 : i32, i32
  }
  func.func @transform_11(%arg0: i32) -> (i32, i32) {
    %c0_i32 = arith.constant 0 : i32
    %c0_i32_0 = arith.constant 0 : i32
    return %arg0, %c0_i32 : i32, i32
  }
  func.func @transform_12(%arg0: i32) -> (i32, i32) {
    %c0_i32 = arith.constant 0 : i32
    %c0_i32_0 = arith.constant 0 : i32
    return %arg0, %c0_i32 : i32, i32
  }
  func.func @transform_13(%arg0: i32) -> (i32, i32) {
    %c0_i32 = arith.constant 0 : i32
    %c0_i32_0 = arith.constant 0 : i32
    return %arg0, %c0_i32 : i32, i32
  }
}

module attributes {stable_mosaic.version = 14 : i64} {
  func.func @body(%arg0: i32, %arg1: memref<1000x128xf32, #tpu.memory_space<vmem>>, %arg2: memref<1000x64xf32, #tpu.memory_space<vmem>>, %arg3: memref<1000x64xf32, #tpu.memory_space<vmem>>, %arg4: memref<1000x64xf32, #tpu.memory_space<vmem>>, %arg5: memref<1000x64xf32, #tpu.memory_space<vmem>>, %arg6: memref<1000x1xf32, #tpu.memory_space<vmem>>, %arg7: memref<1000x1xf32, #tpu.memory_space<vmem>>, %arg8: memref<128x128xf32, #tpu.memory_space<vmem>>, %arg9: memref<1x128xf32, #tpu.memory_space<vmem>>, %arg10: memref<128x128xf32, #tpu.memory_space<vmem>>, %arg11: memref<128x128xf32, #tpu.memory_space<vmem>>, %arg12: memref<128x128xf32, #tpu.memory_space<vmem>>, %arg13: memref<1x128xf32, #tpu.memory_space<vmem>>, %arg14: memref<128x128xf32, #tpu.memory_space<vmem>>, %arg15: memref<1x128xf32, #tpu.memory_space<vmem>>, %arg16: memref<1000x128xf32, #tpu.memory_space<vmem>>) attributes {dimension_semantics = [#tpu.dimension_semantics<arbitrary>], iteration_bounds = array<i64: 10>, scalar_prefetch = 0 : i64, scratch_operands = 0 : i64, tpu.core_type = #tpu.core_type<tc>, window_params = [{transform_indices = @transform_0, window_bounds = array<i64: 1000, 128>}, {transform_indices = @transform_1, window_bounds = array<i64: 1000, 64>}, {transform_indices = @transform_2, window_bounds = array<i64: 1000, 64>}, {transform_indices = @transform_3, window_bounds = array<i64: 1000, 64>}, {transform_indices = @transform_4, window_bounds = array<i64: 1000, 64>}, {transform_indices = @transform_5, window_bounds = array<i64: 1000, 1>}, {transform_indices = @transform_6, window_bounds = array<i64: 1000, 1>}, {pipeline_mode = #tpu.pipeline_mode<synchronous>, transform_indices = @transform_7, window_bounds = array<i64: 128, 128>}, {pipeline_mode = #tpu.pipeline_mode<synchronous>, transform_indices = @transform_8, window_bounds = array<i64: 1, 128>}, {pipeline_mode = #tpu.pipeline_mode<synchronous>, transform_indices = @transform_9, window_bounds = array<i64: 128, 128>}, {pipeline_mode = #tpu.pipeline_mode<synchronous>, transform_indices = @transform_10, window_bounds = array<i64: 128, 128>}, {pipeline_mode = #tpu.pipeline_mode<synchronous>, transform_indices = @transform_11, window_bounds = array<i64: 128, 128>}, {pipeline_mode = #tpu.pipeline_mode<synchronous>, transform_indices = @transform_12, window_bounds = array<i64: 1, 128>}, {pipeline_mode = #tpu.pipeline_mode<synchronous>, transform_indices = @transform_13, window_bounds = array<i64: 128, 128>}, {pipeline_mode = #tpu.pipeline_mode<synchronous>, transform_indices = @transform_14, window_bounds = array<i64: 1, 128>}, {transform_indices = @transform_15, window_bounds = array<i64: 1000, 128>}]} {
    %get3A = arith.constant 0 : index
    %get3A_0 = arith.constant 0 : index
    %get3A_1 = vector.load %arg6[%get3A, %get3A_0] : memref<1000x1xf32, #tpu.memory_space<vmem>>, vector<1000x1xf32>
    %max3A = arith.constant 1.000000e+00 : f32
    %max3A_2 = vector.broadcast %max3A : f32 to vector<1000x1xf32>
    %max3A_3 = arith.maximumf %get3A_1, %max3A_2 : vector<1000x1xf32>
    %get3A_4 = arith.constant 0 : index
    %get3A_5 = arith.constant 0 : index
    %get3A_6 = vector.load %arg7[%get3A_4, %get3A_5] : memref<1000x1xf32, #tpu.memory_space<vmem>>, vector<1000x1xf32>
    %max3A_7 = arith.constant 1.000000e+00 : f32
    %max3A_8 = vector.broadcast %max3A_7 : f32 to vector<1000x1xf32>
    %max3A_9 = arith.maximumf %get3A_6, %max3A_8 : vector<1000x1xf32>
    %get3A_10 = arith.constant 0 : index
    %get3A_11 = arith.constant 0 : index
    %get3A_12 = vector.load %arg2[%get3A_10, %get3A_11] : memref<1000x64xf32, #tpu.memory_space<vmem>>, vector<1000x64xf32>
    %get3A_13 = arith.constant 0 : index
    %get3A_14 = arith.constant 0 : index
    %get3A_15 = vector.load %arg3[%get3A_13, %get3A_14] : memref<1000x64xf32, #tpu.memory_space<vmem>>, vector<1000x64xf32>
    %concatenate3A = tpu.concatenate %get3A_12, %get3A_15 in 1 : vector<1000x64xf32>, vector<1000x64xf32> -> vector<1000x128xf32>
    %get3A_16 = arith.constant 0 : index
    %get3A_17 = arith.constant 0 : index
    %get3A_18 = vector.load %arg4[%get3A_16, %get3A_17] : memref<1000x64xf32, #tpu.memory_space<vmem>>, vector<1000x64xf32>
    %get3A_19 = arith.constant 0 : index
    %get3A_20 = arith.constant 0 : index
    %get3A_21 = vector.load %arg5[%get3A_19, %get3A_20] : memref<1000x64xf32, #tpu.memory_space<vmem>>, vector<1000x64xf32>
    %concatenate3A_22 = tpu.concatenate %get3A_18, %get3A_21 in 1 : vector<1000x64xf32>, vector<1000x64xf32> -> vector<1000x128xf32>
    %get3A_23 = arith.constant 0 : index
    %get3A_24 = arith.constant 0 : index
    %get3A_25 = vector.load %arg1[%get3A_23, %get3A_24] : memref<1000x128xf32, #tpu.memory_space<vmem>>, vector<1000x128xf32>
    %get3A_26 = arith.constant 0 : index
    %get3A_27 = arith.constant 0 : index
    %get3A_28 = vector.load %arg8[%get3A_26, %get3A_27] : memref<128x128xf32, #tpu.memory_space<vmem>>, vector<128x128xf32>
    %dot_general3A = arith.constant dense<0.000000e+00> : vector<1000x128xf32>
    %dot_general3A_29 = tpu.matmul %get3A_25, %get3A_28, %dot_general3A {dimension_numbers = #tpu.dot_dimension_numbers<[1], [0], [0], [1], [0, 0, 1, 1], [], []>, transpose_lhs_hint = false} : vector<1000x128xf32>, vector<128x128xf32>, vector<1000x128xf32> -> vector<1000x128xf32>
    %get3A_30 = arith.constant 0 : index
    %get3A_31 = arith.constant 0 : index
    %get3A_32 = vector.load %arg9[%get3A_30, %get3A_31] : memref<1x128xf32, #tpu.memory_space<vmem>>, vector<1x128xf32>
    %add3A = vector.broadcast %get3A_32 : vector<1x128xf32> to vector<1000x128xf32>
    %add3A_33 = arith.addf %dot_general3A_29, %add3A : vector<1000x128xf32>
    %get3A_34 = arith.constant 0 : index
    %get3A_35 = arith.constant 0 : index
    %get3A_36 = vector.load %arg10[%get3A_34, %get3A_35] : memref<128x128xf32, #tpu.memory_space<vmem>>, vector<128x128xf32>
    %dot_general3A_37 = arith.constant dense<0.000000e+00> : vector<1000x128xf32>
    %dot_general3A_38 = tpu.matmul %concatenate3A, %get3A_36, %dot_general3A_37 {dimension_numbers = #tpu.dot_dimension_numbers<[1], [0], [0], [1], [0, 0, 1, 1], [], []>, precision = #tpu.contract_precision<fp32>, transpose_lhs_hint = false} : vector<1000x128xf32>, vector<128x128xf32>, vector<1000x128xf32> -> vector<1000x128xf32>
    %div3A = vector.broadcast %max3A_3 : vector<1000x1xf32> to vector<1000x128xf32>
    %div3A_39 = arith.divf %dot_general3A_38, %div3A : vector<1000x128xf32>
    %add3A_40 = arith.addf %add3A_33, %div3A_39 : vector<1000x128xf32>
    %get3A_41 = arith.constant 0 : index
    %get3A_42 = arith.constant 0 : index
    %get3A_43 = vector.load %arg11[%get3A_41, %get3A_42] : memref<128x128xf32, #tpu.memory_space<vmem>>, vector<128x128xf32>
    %dot_general3A_44 = arith.constant dense<0.000000e+00> : vector<1000x128xf32>
    %dot_general3A_45 = tpu.matmul %concatenate3A_22, %get3A_43, %dot_general3A_44 {dimension_numbers = #tpu.dot_dimension_numbers<[1], [0], [0], [1], [0, 0, 1, 1], [], []>, precision = #tpu.contract_precision<fp32>, transpose_lhs_hint = false} : vector<1000x128xf32>, vector<128x128xf32>, vector<1000x128xf32> -> vector<1000x128xf32>
    %div3A_46 = vector.broadcast %max3A_9 : vector<1000x1xf32> to vector<1000x128xf32>
    %div3A_47 = arith.divf %dot_general3A_45, %div3A_46 : vector<1000x128xf32>
    %add3A_48 = arith.addf %add3A_40, %div3A_47 : vector<1000x128xf32>
    %get3A_49 = arith.constant 0 : index
    %get3A_50 = arith.constant 0 : index
    %get3A_51 = vector.load %arg12[%get3A_49, %get3A_50] : memref<128x128xf32, #tpu.memory_space<vmem>>, vector<128x128xf32>
    %dot_general3A_52 = arith.constant dense<0.000000e+00> : vector<1000x128xf32>
    %dot_general3A_53 = tpu.matmul %add3A_48, %get3A_51, %dot_general3A_52 {dimension_numbers = #tpu.dot_dimension_numbers<[1], [0], [0], [1], [0, 0, 1, 1], [], []>, transpose_lhs_hint = false} : vector<1000x128xf32>, vector<128x128xf32>, vector<1000x128xf32> -> vector<1000x128xf32>
    %get3A_54 = arith.constant 0 : index
    %get3A_55 = arith.constant 0 : index
    %get3A_56 = vector.load %arg13[%get3A_54, %get3A_55] : memref<1x128xf32, #tpu.memory_space<vmem>>, vector<1x128xf32>
    %add3A_57 = vector.broadcast %get3A_56 : vector<1x128xf32> to vector<1000x128xf32>
    %add3A_58 = arith.addf %dot_general3A_53, %add3A_57 : vector<1000x128xf32>
    %jit3A = arith.constant 0.00999999977 : f32
    %ge3A = arith.constant 0.000000e+00 : f32
    %ge3A_59 = vector.broadcast %ge3A : f32 to vector<1000x128xf32>
    %ge3A_60 = arith.cmpf oge, %add3A_58, %ge3A_59 : vector<1000x128xf32>
    %mul3A = vector.broadcast %jit3A : f32 to vector<1000x128xf32>
    %mul3A_61 = arith.mulf %mul3A, %add3A_58 : vector<1000x128xf32>
    %select_n3A = arith.select %ge3A_60, %add3A_58, %mul3A_61 : vector<1000x128xi1>, vector<1000x128xf32>
    %get3A_62 = arith.constant 0 : index
    %get3A_63 = arith.constant 0 : index
    %get3A_64 = vector.load %arg14[%get3A_62, %get3A_63] : memref<128x128xf32, #tpu.memory_space<vmem>>, vector<128x128xf32>
    %dot_general3A_65 = arith.constant dense<0.000000e+00> : vector<1000x128xf32>
    %dot_general3A_66 = tpu.matmul %select_n3A, %get3A_64, %dot_general3A_65 {dimension_numbers = #tpu.dot_dimension_numbers<[1], [0], [0], [1], [0, 0, 1, 1], [], []>, transpose_lhs_hint = false} : vector<1000x128xf32>, vector<128x128xf32>, vector<1000x128xf32> -> vector<1000x128xf32>
    %get3A_67 = arith.constant 0 : index
    %get3A_68 = arith.constant 0 : index
    %get3A_69 = vector.load %arg15[%get3A_67, %get3A_68] : memref<1x128xf32, #tpu.memory_space<vmem>>, vector<1x128xf32>
    %add3A_70 = vector.broadcast %get3A_69 : vector<1x128xf32> to vector<1000x128xf32>
    %add3A_71 = arith.addf %dot_general3A_66, %add3A_70 : vector<1000x128xf32>
    %swap3A = arith.constant 0 : index
    %swap3A_72 = arith.constant 0 : index
    %swap3A_73 = vector.load %arg16[%swap3A, %swap3A_72] : memref<1000x128xf32, #tpu.memory_space<vmem>>, vector<1000x128xf32>
    tpu.vector_store %arg16[%swap3A, %swap3A_72], %add3A_71 {strides = array<i32>} : memref<1000x128xf32, #tpu.memory_space<vmem>>, vector<1000x128xf32>,
    return
  }
  func.func @transform_0(%arg0: i32) -> (i32, i32) {
    %c0_i32 = arith.constant 0 : i32
    %c0_i32_0 = arith.constant 0 : i32
    return %arg0, %c0_i32 : i32, i32
  }
  func.func @transform_1(%arg0: i32) -> (i32, i32) {
    %c0_i32 = arith.constant 0 : i32
    %c0_i32_0 = arith.constant 0 : i32
    return %arg0, %c0_i32 : i32, i32
  }
  func.func @transform_2(%arg0: i32) -> (i32, i32) {
    %c0_i32 = arith.constant 0 : i32
    %c0_i32_0 = arith.constant 0 : i32
    return %arg0, %c0_i32 : i32, i32
  }
  func.func @transform_3(%arg0: i32) -> (i32, i32) {
    %c0_i32 = arith.constant 0 : i32
    %c0_i32_0 = arith.constant 0 : i32
    return %arg0, %c0_i32 : i32, i32
  }
  func.func @transform_4(%arg0: i32) -> (i32, i32) {
    %c0_i32 = arith.constant 0 : i32
    %c0_i32_0 = arith.constant 0 : i32
    return %arg0, %c0_i32 : i32, i32
  }
  func.func @transform_5(%arg0: i32) -> (i32, i32) {
    %c0_i32 = arith.constant 0 : i32
    %c0_i32_0 = arith.constant 0 : i32
    return %arg0, %c0_i32 : i32, i32
  }
  func.func @transform_6(%arg0: i32) -> (i32, i32) {
    %c0_i32 = arith.constant 0 : i32
    %c0_i32_0 = arith.constant 0 : i32
    return %arg0, %c0_i32 : i32, i32
  }
  func.func @transform_7(%arg0: i32) -> (i32, i32) {
    %c0_i32 = arith.constant 0 : i32
    %c0_i32_0 = arith.constant 0 : i32
    %c0_i32_1 = arith.constant 0 : i32
    return %c0_i32, %c0_i32_0 : i32, i32
  }
  func.func @transform_8(%arg0: i32) -> (i32, i32) {
    %c0_i32 = arith.constant 0 : i32
    %c0_i32_0 = arith.constant 0 : i32
    %c0_i32_1 = arith.constant 0 : i32
    return %c0_i32, %c0_i32_0 : i32, i32
  }
  func.func @transform_9(%arg0: i32) -> (i32, i32) {
    %c0_i32 = arith.constant 0 : i32
    %c0_i32_0 = arith.constant 0 : i32
    %c0_i32_1 = arith.constant 0 : i32
    return %c0_i32, %c0_i32_0 : i32, i32
  }
  func.func @transform_10(%arg0: i32) -> (i32, i32) {
    %c0_i32 = arith.constant 0 : i32
    %c0_i32_0 = arith.constant 0 : i32
    %c0_i32_1 = arith.constant 0 : i32
    return %c0_i32, %c0_i32_0 : i32, i32
  }
  func.func @transform_11(%arg0: i32) -> (i32, i32) {
    %c0_i32 = arith.constant 0 : i32
    %c0_i32_0 = arith.constant 0 : i32
    %c0_i32_1 = arith.constant 0 : i32
    return %c0_i32, %c0_i32_0 : i32, i32
  }
  func.func @transform_12(%arg0: i32) -> (i32, i32) {
    %c0_i32 = arith.constant 0 : i32
    %c0_i32_0 = arith.constant 0 : i32
    %c0_i32_1 = arith.constant 0 : i32
    return %c0_i32, %c0_i32_0 : i32, i32
  }
  func.func @transform_13(%arg0: i32) -> (i32, i32) {
    %c0_i32 = arith.constant 0 : i32
    %c0_i32_0 = arith.constant 0 : i32
    %c0_i32_1 = arith.constant 0 : i32
    return %c0_i32, %c0_i32_0 : i32, i32
  }
  func.func @transform_14(%arg0: i32) -> (i32, i32) {
    %c0_i32 = arith.constant 0 : i32
    %c0_i32_0 = arith.constant 0 : i32
    %c0_i32_1 = arith.constant 0 : i32
    return %c0_i32, %c0_i32_0 : i32, i32
  }
  func.func @transform_15(%arg0: i32) -> (i32, i32) {
    %c0_i32 = arith.constant 0 : i32
    %c0_i32_0 = arith.constant 0 : i32
    return %arg0, %c0_i32 : i32, i32
  }
}

</mosaic_0001>

<sc_bundles>
// kernel: kernel.10.cloned.1.call-start
scs
__scs_entry_jumppad:
0x0: {  	(pc) =	sbr.rel $0x88, $3  }
0x1: {  	(tag) =	ssettag $0x0;
	lr =	simm.s32 $0x1  }
0x2: {  	[smem:$0x3F90] =	sst lr;
	_ =	strace $0xD0000000  }
0x3: {  	_ = 	snop  }
0x4: {  	_ = 	snop  }
0x5: {  	_ = 	snop  }
0x6: {  	_ = 	snop  }
0x7: {  	_ = 	snop  }
__scs_overlays_trampoline_lowered:
0x8: {  	[smem:$0x3F9F] =	sst s0  }
0x9: {  	[smem:$0x3FA0] =	sst s1  }
0xa: {  	[smem:$0x3FA1] =	sst s2  }
0xb: {  	[smem:$0x3FA2] =	sst s3  }
0xc: {  	[smem:$0x3FA3] =	sst s4  }
0xd: {  	[smem:$0x3FA4] =	sst s5  }
0xe: {  	[smem:$0x3FA5] =	sst s6  }
0xf: {  	[smem:$0x3FA6] =	sst s7  }
0x10: {  	[smem:$0x3FA7] =	sst s8  }
0x11: {  	[smem:$0x3FA8] =	sst s9;
	s0 =	simm.s32 @!p0 $0x0  }
0x12: {  	s1 =	sld [smem:$0x3F8E];
	s0 =	simm.s32 @p0 $0x1  }
0x13: {  	[smem:$0x3FA9] =	sst s0;
	s0 =	simm.s32 @!p1 $0x0  }
0x14: {  	s2 =	sld [smem:$0x3F8D];
	s0 =	simm.s32 @p1 $0x1  }
0x15: {  	[smem:$0x3FAA] =	sst s0;
	s0 =	simm.s32 @!p2 $0x0  }
0x16: {  	s3 =	sld [smem:$0x3FDB];
	s0 =	simm.s32 @p2 $0x1  }
0x17: {  	s4 =	simm.s32 $0x1BF5;
	[smem:$0x3FAC] =	sst s0  }
0x18: {  	s0 =	sld [smem:$0x3F8F];
	_ =	swait.ge [sflag:s4], $0x0  }
0x19: {  	s7 =	sld [smem:$0x3F90]  }
0x1a: {  	s8 =	sadd.s32 $0xFFFFE003, lr  }
0x1b: {  	s9 =	sadd.s32 $0xFFFFFEF7, lr;
	s5 =	simm.s32 $0xFFFFFFFF;
	p2 =	slt.u32 s8, $0xFFFFF086  }
0x1c: {  	p1 =	slt.u32 s9, $0xF7A;
	s5 =	simm.s32 @!p2 $0x0  }
0x1d: {  	s5 =	simm.s32 @p1 $0x1;
	p0 =	seq.s32 s7, s2  }
0x1e: {  	s7 =	smul.u32 @!p0 $0xF7A, s2;
	p2 =	seq.s32 @!p0 s5, $0x0  }
0x1f: {  	s9 =	smul.u32 $0xF7A, s1;
	s8 =	simm.s32 @!p0 $0x1BF5;
	p2 =	por !p2, p0  }
0x20: {  	[sflag:s8] =	ssyncset.s32 @!p0 $0xFFFFF086;
	s6 =	sadd.s32 @!p0 s3, s7;
	s7 =	simm.s32 @!p0 $0x108  }
0x21: {  	s3 =	sadd.s32 s3, s9;
	s6 =	sadd.s32 @!p0 $0x88, s6;
	s7 =	simm.s32 @p2 $0x1082  }
0x22: {  	[simem:s7], [sflag:s8] =	dma.local @!p0 [hbm:s6], $0xF7A  }
0x23: {  	s9 =	sor.u32 $0xD0000000, s2;
	s6 =	simm.s32 $0x108;
	_ =	swait.ge @!p0 [sflag:s8], $0x0  }
0x24: {  	s3 =	sadd.s32 $0x88, s3;
	s6 =	simm.s32 @!p1 $0x1082;
	[sflag:s4] =	ssyncset.s32 $0xFFFFF086  }
0x25: {  	[simem:s6], [sflag:s4] =	dma.local [hbm:s3], $0xF7A  }
0x26: {  	[smem:$0x3F90] =	sst s1;
	(tag) =	ssettag s2;
	_ =	strace s9  }
0x27: {  	s1 =	sld [smem:$0x3FA0]  }
0x28: {  	s2 =	sld [smem:$0x3FA1]  }
0x29: {  	s4 =	sld [smem:$0x3FA3]  }
0x2a: {  	p0 =	seq.s32 s5, $0x0;
	s5 =	sld [smem:$0x3FA4]  }
0x2b: {  	s6 =	sld [smem:$0x3FA5]  }
0x2c: {  	s7 =	sld [smem:$0x3FA6]  }
0x2d: {  	s3 =	simm.s32 $0x108;
	s8 =	sld [smem:$0x3FA7]  }
0x2e: {  	s3 =	simm.s32 @!p0 $0x1082;
	s9 =	sld [smem:$0x3FA8]  }
0x2f: {  	lr =	sadd.s32 s0, s3;
	s0 =	sld [smem:$0x3F9F]  }
0x30: {  	s3 =	sld [smem:$0x3FA2]  }
0x31: {  	[smem:$0x3FAB] =	sst s10  }
0x32: {  	s10 =	sld [smem:$0x3FA9];
	_ =	sdelay $0x3  }
0x33: {  	p0 =	seq.s32 s10, $0x1;
	s10 =	sld [smem:$0x3FAB];
	_ =	sdelay $0x3  }
0x34: {  	[smem:$0x3FAB] =	sst s10  }
0x35: {  	s10 =	sld [smem:$0x3FAA];
	_ =	sdelay $0x3  }
0x36: {  	p1 =	seq.s32 s10, $0x1;
	s10 =	sld [smem:$0x3FAB];
	_ =	sdelay $0x3  }
0x37: {  	[smem:$0x3FAB] =	sst s10  }
0x38: {  	s10 =	sld [smem:$0x3FAC]  }
0x39: {  	_ = 	snop;
	(pc) =	sbr.ind lr, $3  }
0x3a: {  	_ = 	snop  }
0x3b: {  	_ = 	snop  }
0x3c: {  	p2 =	seq.s32 s10, $0x1;
	s10 =	sld [smem:$0x3FAB]  }
0x3d: {  	_ =	shalt  }
0x3e: {  	_ =	shalt  }
0x3f: {  	_ =	shalt  }
0x40: {  	_ =	shalt  }
0x41: {  	_ =	shalt  }
0x42: {  	_ =	shalt  }
0x43: {  	_ =	shalt  }
0x44: {  	_ =	shalt  }
0x45: {  	_ =	shalt  }
0x46: {  	_ =	shalt  }
0x47: {  	_ =	shalt  }
0x48: {  	_ =	shalt  }
0x49: {  	_ =	shalt  }
0x4a: {  	_ =	shalt  }
0x4b: {  	_ =	shalt  }
0x4c: {  	_ =	shalt  }
0x4d: {  	_ =	shalt  }
0x4e: {  	_ =	shalt  }
0x4f: {  	_ =	shalt  }
0x50: {  	_ =	shalt  }
0x51: {  	_ =	shalt  }
0x52: {  	_ =	shalt  }
0x53: {  	_ =	shalt  }
0x54: {  	_ =	shalt  }
0x55: {  	_ =	shalt  }
0x56: {  	_ =	shalt  }
0x57: {  	_ =	shalt  }
0x58: {  	_ =	shalt  }
0x59: {  	_ =	shalt  }
0x5a: {  	_ =	shalt  }
0x5b: {  	_ =	shalt  }
0x5c: {  	_ =	shalt  }
0x5d: {  	_ =	shalt  }
0x5e: {  	_ =	shalt  }
0x5f: {  	_ =	shalt  }
0x60: {  	_ =	shalt  }
0x61: {  	_ =	shalt  }
0x62: {  	_ =	shalt  }
0x63: {  	_ =	shalt  }
0x64: {  	_ =	shalt  }
0x65: {  	_ =	shalt  }
0x66: {  	_ =	shalt  }
0x67: {  	_ =	shalt  }
0x68: {  	_ =	shalt  }
0x69: {  	_ =	shalt  }
0x6a: {  	_ =	shalt  }
0x6b: {  	_ =	shalt  }
0x6c: {  	_ =	shalt  }
0x6d: {  	_ =	shalt  }
0x6e: {  	_ =	shalt  }
0x6f: {  	_ =	shalt  }
0x70: {  	_ =	shalt  }
0x71: {  	_ =	shalt  }
0x72: {  	_ =	shalt  }
0x73: {  	_ =	shalt  }
0x74: {  	_ =	shalt  }
0x75: {  	_ =	shalt  }
0x76: {  	_ =	shalt  }
0x77: {  	_ =	shalt  }
0x78: {  	_ =	shalt  }
0x79: {  	_ =	shalt  }
0x7a: {  	_ =	shalt  }
0x7b: {  	_ =	shalt  }
0x7c: {  	_ =	shalt  }
0x7d: {  	_ =	shalt  }
0x7e: {  	_ =	shalt  }
0x7f: {  	_ =	shalt  }
0x80: {  	_ =	shalt  }
0x81: {  	_ =	shalt  }
0x82: {  	_ =	shalt  }
0x83: {  	_ =	shalt  }
0x84: {  	_ =	shalt  }
0x85: {  	_ =	shalt  }
0x86: {  	_ =	shalt  }
0x87: {  	_ =	shalt  }
.Lfunc_end0:
.L_simem_size_0:
called_computation.1_lowered:
.L_overlay_start_0:
0x88: {  	s2 =	sld [smem:$0x3FD9]  }
0x89: {  	s3 =	sld [smem:$0x3FFE];
	_ =	sdelay $0x1  }
0x8a: {  	s1 =	srdreg.scid  }
0x8b: {  	s0 =	sand.u32 $0x1, s1  }
0x8c: {  	s16 =	sshll.u32 s0, $0xA;
	s2 =	sadd.s32 s3, s2  }
0x8d: {  	s2 =	sadd.s32 s2, s16  }
0x8e: {  	[smem:$0x3FB7] =	sst s2  }
0x8f: {  	_ = 	snop  }
0x90: {  	(tm) =	ssettm $0x1  }
0x91: {  	s17 =	sld [smem:$0x3FFB];
	_ =	sdelay $0x3  }
0x92: {  	_ =	strace s17  }
0x93: {  	s2 =	sld [smem:$0x3FFC];
	_ =	sdelay $0x3  }
0x94: {  	_ =	strace s2  }
0x95: {  	s2 =	sld [smem:$0x3FFD];
	_ =	sdelay $0x3  }
0x96: {  	_ =	strace s2  }
0x97: {  	_ =	strace $0x8FFFFFFF  }
0x98: {  	s18 =	sld [smem:$0x3FDB];
	_ =	sdelay $0x1  }
0x99: {  	s19 =	simm.s32 $_scs_section_size  }
0x9a: {  	s4 =	simm.s32 $_size__tile_overlayer_lowered;
	s5 =	simm.s32 $_tile_overlayer_lowered  }
0x9b: {  	s22 =	simm.s32 $0x1BFF;
	s21 =	sshll.u32 s5, $0x1;
	s2 =	sadd.s32 s19, s18  }
0x9c: {  	s6 =	simm.s32 $0x0;
	s20 =	sshll.u32 s4, $0x1;
	s4 =	sadd.s32 s21, s2  }
0x9d: {  	[timem:s6], [sflag:s22] =	dma.local [hbm:s4], s20  }
0x9e: {  	_ =	swait.ge [sflag:s22], s20  }
0x9f: {  	s3 =	ssub.s32 $0x0, s20;
	[sflag:s22] =	ssyncset.done $0x0  }
0xa0: {  	[sflag:s22] =	ssyncadd.s32 s3;
	_ =	sdelay $0x1  }
0xa1: {  	s23 =	simm.s32 $0x1B8B  }
0xa2: {  	_ =	swait.ge [sflag:s23], $0x1  }
0xa3: {  	[sflag:s23] =	ssyncset.done $0x0  }
0xa4: {  	s25 =	simm.s32 $0x1B8E;
	s24 =	sld [smem:$0x3FFE];
	[sflag:s23] =	ssyncadd.s32 $0xFFFFFFFF  }
0xa5: {  	s26 =	simm.s32 $execute0_lowered;
	[smem:$0x3FD2] =	sst s25  }
0xa6: {  	s4 =	sshll.u32 s26, $0x1;
	_ =	strace $0x80000049;
	[dreg:$0x1] =	wrdreg $0xFFFFFFFF  }
0xa7: {  	s28 =	simm.s32 $_size_execute0_lowered;
	s2 =	sadd.s32 s2, s4;
	[dreg:$0x0] =	wrdreg $0x0  }
0xa8: {  	s4 =	sshll.u32 s28, $0x1;
	[dreg:$0x2] =	wrdreg s2  }
0xa9: {  	[dreg:$0x3] =	wrdreg s4  }
0xaa: {  	[dreg:$0x4] =	wrdreg $0xC0  }
0xab: {  	_ =	task [dreg:s6], $0x5FFFF  }
0xac: {  	[dreg:$0x1] =	wrdreg $0xFFFFFFFF  }
0xad: {  	[dreg:$0x0] =	wrdreg $0x60  }
0xae: {  	[dreg:$0x2] =	wrdreg s24  }
0xaf: {  	[dreg:$0x3] =	wrdreg $0x15C000  }
0xb0: {  	[dreg:$0x4] =	wrdreg $0x22000  }
0xb1: {  	[dreg:$0x5] =	wrdreg $0x9  }
0xb2: {  	_ =	task.clear_ibuf [dreg:s6], $0x6FFFF;
	_ =	strace $0x90000049  }
0xb3: {  	s29 =	simm.s32 $0x9;
	_ =	strace $0x8000004B  }
0xb4: {  	_ =	swait.ge [sflag:s29], $0x1  }
0xb5: {  	[sflag:s29] =	ssyncadd.s32 $0xFFFFFFFF  }
0xb6: {  	_ =	strace $0x9000004B  }
0xb7: {  	_ =	sfence  }
0xb8: {  	s30 =	sld [smem:$0x0];
	_ =	sdelay $0x2  }
0xb9: {  	s31 =	sshll.u32 s1, $0xD;
	s1 =	sshrl.u32 s1, $0x2  }
0xba: {  	s3 =	sand.u32 $0x4000, s31;
	s1 =	sadd.s32 s1, s30  }
0xbb: {  	s0 =	sor.u32 s3, s0;
	s1 =	sshll.u32 s1, $0x11  }
0xbc: {  	s0 =	sor.u32 s1, s0  }
0xbd: {  	s0 =	sadd.s32 $0x8F2B, s0  }
0xbe: {  	[sflag:s0] =	ssyncadd.remote.s32 $0x1  }
0xbf: {  	_ =	sfence.sel $0xFFFF  }
0xc0: {  	[dreg:$0x0] =	wrdreg $0xFFFFFFFF;
	(pc) =	sbr.abs _section_cstart, $3  }
0xc1: {  	[dreg:$0x1] =	wrdreg $0xFFFFFFFF  }
0xc2: {  	_ =	task.clear_ibuf [dreg:s6], $0x2FFFF;
	_ =	strace $0x9FFFFFFF  }
0xc3: {  	(tm) =	ssettm $0x7FFFFFFF  }
tec
execute0_lowered:
.L_overlay_start_1:
0x0: {  	(tag) =	ssettag $0x1  }
0x1: {  	s9 =	rddreg [dreg:$0x0]  }
0x2: {  	s2 =	rddreg [dreg:$0x1]  }
0x3: {  	s3 =	rddreg [dreg:$0x2];
	s1 =	stileid.u32  }
0x4: {  	s4 =	simm.s32 $0x0;
	s6 =	srdreg.scid;
	s17 =	simm.s32 $0x40  }
0x5: {  	s18 =	simm.s32 $0x100;
	s19 =	simm.s32 $0x200;
	s20 =	simm.s32 $0x3  }
0x6: {  	s21 =	simm.s32 $0x140;
	s22 =	simm.s32 $0x1200;
	s5 =	smul.u32 $0x13A0, s1  }
0x7: {  	s23 =	simm.s32 $0x2;
	s24 =	simm.s32 $0x180;
	s7 =	smul.u32 $0x2740, s1  }
0x8: {  	s25 =	simm.s32 $0x1C0;
	s26 =	simm.s32 $0x4;
	s12 =	smul.u32 $0x9C40, s1  }
0x9: {  	[smem:$0x7FF] =	sst s4;
	s6 =	sand.u32 $0x1, s6;
	s13 =	smul.u32 $0x4E800, s1  }
0xa: {  	s28 =	simm.s32 $0x0;
	_ =	strace $0x8000004A;
	s8 =	smul.u32 $0x27400, s6  }
0xb: {  	s11 =	ssub.s32 $0x2, s6;
	p0 =	seq.s32 s6, $0x0;
	s10 =	sadd.s32 s5, s9  }
0xc: {  	s30 =	sshrl.u32 s11, $0x1;
	s5 =	sadd.s32 $0x3DA00, s9;
	s15 =	sadd.s32 s12, s2  }
0xd: {  	s31 =	sshrl.u32 s13, $0x2;
	s12 =	sshrl.u32 s12, $0x3;
	s13 =	simm.s32 $0x2C00  }
0xe: {  	s7 =	sadd.s32 s7, s8;
	s11 =	ssub.s32 s11, s30;
	s16 =	sadd.s32 s31, s3  }
.Ltmp0:
0xf: {  	s6 =	sadd.s32 $0x2A000, s10;
	s13 =	simm.s32 @!p0 $0x16600;
	(pc) =	sbr.rel .LBB2_1-.Ltmp0, $4  }
0x10: {  	s14 =	sadd.s32 s7, s9;
	s7 =	sadd.s32 $0x2A010, s10;
	s13 =	sadd.s32 s13, s9  }
0x11: {  	s9 =	sshll.u32 s1, $0x6;
	s10 =	smax.u32 s11, $0x1;
	s8 =	sadd.s32 $0x40400, s14  }
0x12: {  	s11 =	sadd.s32 s13, s12;
	s12 =	sor.u32 $0x1C01, s9;
	s13 =	sshrl.u32 s15, $0x3  }
0x13: {  	s14 =	sshrl.u32 s16, $0x3;
	s15 =	simm.s32 $0x1;
	s16 =	simm.s32 $0x80  }
.LBB2_7:
0x14: {  	_ =	swait.ge [sflag:s20], $0x1000  }
0x15: {  	[sflag:s20] =	ssyncset.done $0x0  }
0x16: {  	[sflag:s20] =	ssyncadd.s32 $0xFFFFF000  }
0x17: {  	_ =	swait.ge [sflag:s20], $0x1000  }
0x18: {  	s28 =	sadd.s32 $0x1, s28;
	[sflag:s20] =	ssyncset.done $0x0  }
0x19: {  	p0 =	sne.s32 s28, s10;
	[sflag:s20] =	ssyncadd.s32 $0xFFFFF000  }
.Ltmp1:
0x1a: {  	s0 =	sor.u32 $0x1C04, s9;
	[bflag:$0x0] =	sbarrier.arrive $0xFFFF;
	(pc) =	sbr.rel @!p0 .LBB2_8-.Ltmp1, $4  }
0x1b: {  	[hbm:s8], [sflag:s0] =	dma.local [spmem:s14], $0x2740  }
0x1c: {  	_ =	swait.ge [sflag:s26], $0x2740  }
0x1d: {  	[sflag:s26] =	ssyncset.done $0x0  }
0x1e: {  	[sflag:s26] =	ssyncadd.s32 $0xFFFFD8C0  }
.LBB2_1:
0x1f: {  	[spmem:s13], [sflag:s12] =	dma.local [hbm:s11], $0x1388  }
0x20: {  	[spmem:s14], [sflag:s12] =	dma.local [hbm:s5], $0x2740  }
0x21: {  	_ =	swait.ge [sflag:s15], $0x1388  }
0x22: {  	[sflag:s15] =	ssyncset.done $0x0  }
0x23: {  	[sflag:s15] =	ssyncadd.s32 $0xFFFFEC78  }
0x24: {  	_ =	swait.ge [sflag:s15], $0x2740  }
0x25: {  	[sflag:s15] =	ssyncset.done $0x0  }
.Ltmp2:
0x26: {  	[sflag:s15] =	ssyncadd.s32 $0xFFFFD8C0;
	(pc) =	sbr.rel .LBB2_2-.Ltmp2, $4  }
0x27: {  	[bflag:$0x0] =	sbarrier.arrive $0xFFFF  }
0x28: {  	[tilespmem:s4], [sflag:$0x1] =	stream.linear.gather [hbm4b:s6+s4], $0x80, $0x38;
	[tilespmem:$0x1F840] =	vst v63  }
0x29: {  	s29 =	simm.s32 $0x0  }
0x2a: {  	[tilespmem:s16], [sflag:$0x1] =	stream.linear.gather [hbm4b:s7+s4], $0x80, $0x38;
	[tilespmem:$0x1F840] =	vst v63  }
.LBB2_3:
0x2b: {  	[tilespmem:s19], [sflag:$0x2] =	stream.indirect.gather [spmem:s2], $0x40, s18, s17, $0xb8;
	[tilespmem:$0x1F840] =	vst v63  }
.LBB2_5:
0x2c: {  	_ =	swait.ge [sflag:s20], $0x1000  }
0x2d: {  	[sflag:s20] =	ssyncset.done $0x0  }
0x2e: {  	[sflag:s20] =	ssyncadd.s32 $0xFFFFF000  }
.LBB2_6:
0x2f: {  	_ =	swait.ge [sflag:s15], $0x80  }
0x30: {  	[sflag:s15] =	ssyncset.done $0x0  }
0x31: {  	[sflag:s15] =	ssyncadd.s32 $0xFFFFFF80  }
0x32: {  	v0 =	vld [tilespmem:$0x80]  }
0x33: {  	v1 =	vld [tilespmem:$0xC0]  }
0x34: {  	v2 =	vld [tilespmem:$0x90]  }
0x35: {  	v3 =	vld [tilespmem:$0xD0]  }
0x36: {  	v4 =	vld [tilespmem:$0xA0]  }
0x37: {  	v61 =	vld [tilespmem:$0xE0];
	[tilespmem:$0x140] =	vst v0  }
0x38: {  	v62 =	vld [tilespmem:$0xB0];
	[tilespmem:$0x1C0] =	vst v1  }
0x39: {  	v63 =	vld [tilespmem:$0xF0];
	[tilespmem:$0x150] =	vst v2  }
0x3a: {  	[tilespmem:$0x1D0] =	vst v3  }
0x3b: {  	[tilespmem:$0x160] =	vst v4  }
0x3c: {  	p0 =	seq.s32 s29, $0x1380;
	[tilespmem:$0x1E0] =	vst v61  }
0x3d: {  	s30 =	sadd.s32 @!p0 s29, s6;
	[tilespmem:$0x170] =	vst v62  }
0x3e: {  	s31 =	simm.s32 @!p0 $0x0;
	s0 =	simm.s32 @!p0 $0x80;
	s30 =	sadd.s32 @!p0 $0x30, s30;
	[tilespmem:$0x1F0] =	vst v63  }
0x3f: {  	[tilespmem:s0], [sflag:$0x1] =	stream.linear.gather @!p0 [hbm4b:s30+s31], $0x80, $0x38;
	[tilespmem:$0x1F840] =	vst v63  }
0x40: {  	_ = 	snop  }
0x41: {  	[tilespmem:s22], [sflag:$0x2] =	stream.indirect.gather [spmem:s2], $0x40, s21, s17, $0xb8;
	[tilespmem:$0x1F840] =	vst v63  }
0x42: {  	_ =	swait.ge [sflag:s23], $0x1000  }
0x43: {  	s29 =	sadd.s32 $0x20, s29;
	[sflag:s23] =	ssyncset.done $0x0  }
0x44: {  	p0 =	sne.s32 s29, $0x13A0;
	[sflag:s23] =	ssyncadd.s32 $0xFFFFF000  }
0x45: {  	[spmem:s3] =	stream.indirect.scatter.add.f32 [tilespmem:s19], [sflag:$0x3], $0x40, s24, s17, $0xb8;
	[tilespmem:$0x1F840] =	vst v63  }
.Ltmp3:
0x46: {  	_ = 	snop;
	(pc) =	sbr.rel @!p0 .LBB2_7-.Ltmp3, $4  }
0x47: {  	_ =	swait.ge [sflag:s23], $0x1000  }
0x48: {  	[sflag:s23] =	ssyncset.done $0x0  }
0x49: {  	[sflag:s23] =	ssyncadd.s32 $0xFFFFF000  }
0x4a: {  	[spmem:s3] =	stream.indirect.scatter.add.f32 [tilespmem:s22], [sflag:$0x3], $0x40, s25, s17, $0xb8;
	[tilespmem:$0x1F840] =	vst v63  }
.LBB2_2:
0x4b: {  	p0 =	seq.s32 s29, $0x0  }
0x4c: {  	s30 =	simm.s32 @!p0 $0x3  }
0x4d: {  	_ =	swait.ge @!p0 [sflag:s30], $0x1000  }
0x4e: {  	[sflag:s30] =	ssyncset.done @!p0 $0x0  }
0x4f: {  	[sflag:s30] =	ssyncadd.s32 @!p0 $0xFFFFF000  }
0x50: {  	_ =	swait.ge [sflag:s15], $0x80  }
0x51: {  	[sflag:s15] =	ssyncset.done $0x0  }
0x52: {  	[sflag:s15] =	ssyncadd.s32 $0xFFFFFF80  }
0x53: {  	v0 =	vld [tilespmem:$0x0]  }
0x54: {  	v1 =	vld [tilespmem:$0x40]  }
0x55: {  	v2 =	vld [tilespmem:$0x10]  }
0x56: {  	v3 =	vld [tilespmem:$0x50]  }
0x57: {  	v4 =	vld [tilespmem:$0x20]  }
0x58: {  	v61 =	vld [tilespmem:$0x60];
	[tilespmem:$0x100] =	vst v0  }
0x59: {  	v62 =	vld [tilespmem:$0x30];
	[tilespmem:$0x180] =	vst v1  }
0x5a: {  	p1 =	sne.s32 s29, $0x1380;
	v63 =	vld [tilespmem:$0x70];
	[tilespmem:$0x110] =	vst v2  }
.Ltmp4:
0x5b: {  	[tilespmem:$0x190] =	vst v3;
	(pc) =	sbr.rel @!p1 .LBB2_3-.Ltmp4, $4  }
0x5c: {  	[tilespmem:$0x120] =	vst v4  }
0x5d: {  	[tilespmem:$0x1A0] =	vst v61  }
0x5e: {  	[tilespmem:$0x130] =	vst v62  }
0x5f: {  	[tilespmem:$0x1B0] =	vst v63  }
.Ltmp5:
0x60: {  	s30 =	sadd.s32 s29, s6;
	(pc) =	sbr.rel @!p0 .LBB2_5-.Ltmp5, $4  }
.Ltmp6:
0x61: {  	s30 =	sadd.s32 $0x20, s30;
	(pc) =	sbr.rel @p0 .LBB2_6-.Ltmp6, $4  }
0x62: {  	[tilespmem:s4], [sflag:$0x1] =	stream.linear.gather [hbm4b:s30+s4], $0x80, $0x38;
	[tilespmem:$0x1F840] =	vst v63  }
0x63: {  	_ = 	snop  }
0x64: {  	[tilespmem:s19], [sflag:$0x2] =	stream.indirect.gather [spmem:s2], $0x40, s18, s17, $0xb8;
	[tilespmem:$0x1F840] =	vst v63  }
0x65: {  	_ = 	snop  }
.LBB2_8:
0x66: {  	_ =	sfence.sel $0x180000  }
0x67: {  	[bflag:$0x0] =	sbarrier.arrive $0xFFFF  }
0x68: {  	_ =	strace $0x9000004A  }
0x69: {  	[bflag:$0x2] =	sbarrier.arrive $0xFFFF  }
0x6a: {  	p0 =	sne.s32 s1, $0x0;
	s0 =	rddreg [dreg:$0x3]  }
0x6b: {  	s0 =	sadd.s32 @!p0 $0x100000, s0  }
0x6c: {  	[sflag:s0] =	ssyncadd.tile.s32 @!p0 $0x1;
	_ =	shalt  }
.Lfunc_end2:
_tile_overlayer_lowered:
.L_overlay_start_2:
0x6d: {  	(tag) =	ssettag $0x2  }
0x6e: {  	s0 =	rddreg [dreg:$0x0];
	s2 =	stileid.u32  }
0x6f: {  	s1 =	rddreg [dreg:$0x1];
	p0 =	sne.s32 s2, $0x0  }
0x70: {  	s3 =	rddreg [dreg:$0x2];
	[bflag:$0x3] =	sbarrier.arrive $0xFFFF;
	s2 =	simm.s32 @!p0 $0x1C04  }
0x71: {  	[timem:s3], [sflag:s2] =	dma.local @!p0 [hbm:s0], s1  }
0x72: {  	s0 =	simm.s32 @!p0 $0x4  }
0x73: {  	_ =	swait.ge @!p0 [sflag:s0], s1  }
0x74: {  	s1 =	ssub.s32 @!p0 $0x0, s1;
	[sflag:s0] =	ssyncset.done @!p0 $0x0  }
0x75: {  	[sflag:s0] =	ssyncadd.s32 @!p0 s1  }
0x76: {  	[bflag:$0x3] =	sbarrier.arrive $0xFFFF  }
0x77: {  	_ =	shalt  }

// kernel: kernel.7.cloned.1.call-start
scs
__scs_entry_jumppad:
0x0: {  	(pc) =	sbr.rel $0x88, $3  }
0x1: {  	(tag) =	ssettag $0x0;
	lr =	simm.s32 $0x1  }
0x2: {  	[smem:$0x3F90] =	sst lr;
	_ =	strace $0xD0000000  }
0x3: {  	_ = 	snop  }
0x4: {  	_ = 	snop  }
0x5: {  	_ = 	snop  }
0x6: {  	_ = 	snop  }
0x7: {  	_ = 	snop  }
__scs_overlays_trampoline_lowered:
0x8: {  	[smem:$0x3F9F] =	sst s0  }
0x9: {  	[smem:$0x3FA0] =	sst s1  }
0xa: {  	[smem:$0x3FA1] =	sst s2  }
0xb: {  	[smem:$0x3FA2] =	sst s3  }
0xc: {  	[smem:$0x3FA3] =	sst s4  }
0xd: {  	[smem:$0x3FA4] =	sst s5  }
0xe: {  	[smem:$0x3FA5] =	sst s6  }
0xf: {  	[smem:$0x3FA6] =	sst s7  }
0x10: {  	[smem:$0x3FA7] =	sst s8  }
0x11: {  	[smem:$0x3FA8] =	sst s9;
	s0 =	simm.s32 @!p0 $0x0  }
0x12: {  	s1 =	sld [smem:$0x3F8E];
	s0 =	simm.s32 @p0 $0x1  }
0x13: {  	[smem:$0x3FA9] =	sst s0;
	s0 =	simm.s32 @!p1 $0x0  }
0x14: {  	s2 =	sld [smem:$0x3F8D];
	s0 =	simm.s32 @p1 $0x1  }
0x15: {  	[smem:$0x3FAA] =	sst s0;
	s0 =	simm.s32 @!p2 $0x0  }
0x16: {  	s3 =	sld [smem:$0x3FDB];
	s0 =	simm.s32 @p2 $0x1  }
0x17: {  	s4 =	simm.s32 $0x1BF5;
	[smem:$0x3FAC] =	sst s0  }
0x18: {  	s0 =	sld [smem:$0x3F8F];
	_ =	swait.ge [sflag:s4], $0x0  }
0x19: {  	s7 =	sld [smem:$0x3F90]  }
0x1a: {  	s8 =	sadd.s32 $0xFFFFE003, lr  }
0x1b: {  	s9 =	sadd.s32 $0xFFFFFEF7, lr;
	s5 =	simm.s32 $0xFFFFFFFF;
	p2 =	slt.u32 s8, $0xFFFFF086  }
0x1c: {  	p1 =	slt.u32 s9, $0xF7A;
	s5 =	simm.s32 @!p2 $0x0  }
0x1d: {  	s5 =	simm.s32 @p1 $0x1;
	p0 =	seq.s32 s7, s2  }
0x1e: {  	s7 =	smul.u32 @!p0 $0xF7A, s2;
	p2 =	seq.s32 @!p0 s5, $0x0  }
0x1f: {  	s9 =	smul.u32 $0xF7A, s1;
	s8 =	simm.s32 @!p0 $0x1BF5;
	p2 =	por !p2, p0  }
0x20: {  	[sflag:s8] =	ssyncset.s32 @!p0 $0xFFFFF086;
	s6 =	sadd.s32 @!p0 s3, s7;
	s7 =	simm.s32 @!p0 $0x108  }
0x21: {  	s3 =	sadd.s32 s3, s9;
	s6 =	sadd.s32 @!p0 $0x88, s6;
	s7 =	simm.s32 @p2 $0x1082  }
0x22: {  	[simem:s7], [sflag:s8] =	dma.local @!p0 [hbm:s6], $0xF7A  }
0x23: {  	s9 =	sor.u32 $0xD0000000, s2;
	s6 =	simm.s32 $0x108;
	_ =	swait.ge @!p0 [sflag:s8], $0x0  }
0x24: {  	s3 =	sadd.s32 $0x88, s3;
	s6 =	simm.s32 @!p1 $0x1082;
	[sflag:s4] =	ssyncset.s32 $0xFFFFF086  }
0x25: {  	[simem:s6], [sflag:s4] =	dma.local [hbm:s3], $0xF7A  }
0x26: {  	[smem:$0x3F90] =	sst s1;
	(tag) =	ssettag s2;
	_ =	strace s9  }
0x27: {  	s1 =	sld [smem:$0x3FA0]  }
0x28: {  	s2 =	sld [smem:$0x3FA1]  }
0x29: {  	s4 =	sld [smem:$0x3FA3]  }
0x2a: {  	p0 =	seq.s32 s5, $0x0;
	s5 =	sld [smem:$0x3FA4]  }
0x2b: {  	s6 =	sld [smem:$0x3FA5]  }
0x2c: {  	s7 =	sld [smem:$0x3FA6]  }
0x2d: {  	s3 =	simm.s32 $0x108;
	s8 =	sld [smem:$0x3FA7]  }
0x2e: {  	s3 =	simm.s32 @!p0 $0x1082;
	s9 =	sld [smem:$0x3FA8]  }
0x2f: {  	lr =	sadd.s32 s0, s3;
	s0 =	sld [smem:$0x3F9F]  }
0x30: {  	s3 =	sld [smem:$0x3FA2]  }
0x31: {  	[smem:$0x3FAB] =	sst s10  }
0x32: {  	s10 =	sld [smem:$0x3FA9];
	_ =	sdelay $0x3  }
0x33: {  	p0 =	seq.s32 s10, $0x1;
	s10 =	sld [smem:$0x3FAB];
	_ =	sdelay $0x3  }
0x34: {  	[smem:$0x3FAB] =	sst s10  }
0x35: {  	s10 =	sld [smem:$0x3FAA];
	_ =	sdelay $0x3  }
0x36: {  	p1 =	seq.s32 s10, $0x1;
	s10 =	sld [smem:$0x3FAB];
	_ =	sdelay $0x3  }
0x37: {  	[smem:$0x3FAB] =	sst s10  }
0x38: {  	s10 =	sld [smem:$0x3FAC]  }
0x39: {  	_ = 	snop;
	(pc) =	sbr.ind lr, $3  }
0x3a: {  	_ = 	snop  }
0x3b: {  	_ = 	snop  }
0x3c: {  	p2 =	seq.s32 s10, $0x1;
	s10 =	sld [smem:$0x3FAB]  }
0x3d: {  	_ =	shalt  }
0x3e: {  	_ =	shalt  }
0x3f: {  	_ =	shalt  }
0x40: {  	_ =	shalt  }
0x41: {  	_ =	shalt  }
0x42: {  	_ =	shalt  }
0x43: {  	_ =	shalt  }
0x44: {  	_ =	shalt  }
0x45: {  	_ =	shalt  }
0x46: {  	_ =	shalt  }
0x47: {  	_ =	shalt  }
0x48: {  	_ =	shalt  }
0x49: {  	_ =	shalt  }
0x4a: {  	_ =	shalt  }
0x4b: {  	_ =	shalt  }
0x4c: {  	_ =	shalt  }
0x4d: {  	_ =	shalt  }
0x4e: {  	_ =	shalt  }
0x4f: {  	_ =	shalt  }
0x50: {  	_ =	shalt  }
0x51: {  	_ =	shalt  }
0x52: {  	_ =	shalt  }
0x53: {  	_ =	shalt  }
0x54: {  	_ =	shalt  }
0x55: {  	_ =	shalt  }
0x56: {  	_ =	shalt  }
0x57: {  	_ =	shalt  }
0x58: {  	_ =	shalt  }
0x59: {  	_ =	shalt  }
0x5a: {  	_ =	shalt  }
0x5b: {  	_ =	shalt  }
0x5c: {  	_ =	shalt  }
0x5d: {  	_ =	shalt  }
0x5e: {  	_ =	shalt  }
0x5f: {  	_ =	shalt  }
0x60: {  	_ =	shalt  }
0x61: {  	_ =	shalt  }
0x62: {  	_ =	shalt  }
0x63: {  	_ =	shalt  }
0x64: {  	_ =	shalt  }
0x65: {  	_ =	shalt  }
0x66: {  	_ =	shalt  }
0x67: {  	_ =	shalt  }
0x68: {  	_ =	shalt  }
0x69: {  	_ =	shalt  }
0x6a: {  	_ =	shalt  }
0x6b: {  	_ =	shalt  }
0x6c: {  	_ =	shalt  }
0x6d: {  	_ =	shalt  }
0x6e: {  	_ =	shalt  }
0x6f: {  	_ =	shalt  }
0x70: {  	_ =	shalt  }
0x71: {  	_ =	shalt  }
0x72: {  	_ =	shalt  }
0x73: {  	_ =	shalt  }
0x74: {  	_ =	shalt  }
0x75: {  	_ =	shalt  }
0x76: {  	_ =	shalt  }
0x77: {  	_ =	shalt  }
0x78: {  	_ =	shalt  }
0x79: {  	_ =	shalt  }
0x7a: {  	_ =	shalt  }
0x7b: {  	_ =	shalt  }
0x7c: {  	_ =	shalt  }
0x7d: {  	_ =	shalt  }
0x7e: {  	_ =	shalt  }
0x7f: {  	_ =	shalt  }
0x80: {  	_ =	shalt  }
0x81: {  	_ =	shalt  }
0x82: {  	_ =	shalt  }
0x83: {  	_ =	shalt  }
0x84: {  	_ =	shalt  }
0x85: {  	_ =	shalt  }
0x86: {  	_ =	shalt  }
0x87: {  	_ =	shalt  }
.Lfunc_end0:
.L_simem_size_0:
called_computation_lowered:
.L_overlay_start_0:
0x88: {  	s2 =	sld [smem:$0x3FD9]  }
0x89: {  	s3 =	sld [smem:$0x3FFE];
	_ =	sdelay $0x1  }
0x8a: {  	s1 =	srdreg.scid  }
0x8b: {  	s0 =	sand.u32 $0x1, s1  }
0x8c: {  	s17 =	sshll.u32 s0, $0xA;
	s2 =	sadd.s32 s3, s2  }
0x8d: {  	s2 =	sadd.s32 s2, s17  }
0x8e: {  	[smem:$0x3FB7] =	sst s2  }
0x8f: {  	_ = 	snop  }
0x90: {  	s2 =	sld [smem:$0x3FD0];
	(tm) =	ssettm $0x1  }
0x91: {  	s18 =	sld [smem:$0x3FFB];
	_ =	sdelay $0x3  }
0x92: {  	_ =	strace s18  }
0x93: {  	s3 =	sld [smem:$0x3FFC];
	_ =	sdelay $0x3  }
0x94: {  	_ =	strace s3  }
0x95: {  	s3 =	sld [smem:$0x3FFD];
	_ =	sdelay $0x3  }
0x96: {  	_ =	strace s3  }
0x97: {  	_ =	strace $0x8FFFFFFF  }
0x98: {  	s19 =	sld [smem:$0x3FDB];
	_ =	sdelay $0x1  }
0x99: {  	s4 =	simm.s32 $_scs_section_size  }
0x9a: {  	s5 =	simm.s32 $_size__tile_overlayer_lowered;
	s6 =	simm.s32 $_tile_overlayer_lowered  }
0x9b: {  	s22 =	simm.s32 $0x1BFF;
	s21 =	sshll.u32 s6, $0x1;
	s3 =	sadd.s32 s4, s19  }
0x9c: {  	s7 =	simm.s32 $0x0;
	s20 =	sshll.u32 s5, $0x1;
	s5 =	sadd.s32 s21, s3  }
0x9d: {  	[timem:s7], [sflag:s22] =	dma.local [hbm:s5], s20  }
0x9e: {  	_ =	swait.ge [sflag:s22], s20  }
0x9f: {  	s4 =	ssub.s32 $0x0, s20;
	[sflag:s22] =	ssyncset.done $0x0  }
0xa0: {  	[sflag:s22] =	ssyncadd.s32 s4;
	_ =	sdelay $0x1  }
0xa1: {  	s23 =	simm.s32 $0x1B8B  }
0xa2: {  	_ =	swait.ge [sflag:s23], $0x1  }
0xa3: {  	[sflag:s23] =	ssyncset.done $0x0  }
0xa4: {  	s25 =	simm.s32 $0x1B8E;
	s24 =	sld [smem:$0x3FFE];
	[sflag:s23] =	ssyncadd.s32 $0xFFFFFFFF  }
0xa5: {  	s26 =	simm.s32 $execute0_lowered;
	[smem:$0x3FD2] =	sst s25  }
0xa6: {  	s5 =	sshll.u32 s26, $0x1;
	_ =	strace $0x80000046;
	[dreg:$0x1] =	wrdreg $0xFFFFFFFF  }
0xa7: {  	s28 =	simm.s32 $_size_execute0_lowered;
	s3 =	sadd.s32 s3, s5;
	[dreg:$0x0] =	wrdreg $0x0  }
0xa8: {  	s5 =	sshll.u32 s28, $0x1;
	[dreg:$0x2] =	wrdreg s3  }
0xa9: {  	[dreg:$0x3] =	wrdreg s5  }
0xaa: {  	[dreg:$0x4] =	wrdreg $0xC0  }
0xab: {  	_ =	task [dreg:s7], $0x5FFFF  }
0xac: {  	[dreg:$0x1] =	wrdreg $0xFFFFFFFF  }
0xad: {  	[dreg:$0x0] =	wrdreg $0x60  }
0xae: {  	[dreg:$0x2] =	wrdreg s24  }
0xaf: {  	[dreg:$0x3] =	wrdreg s2  }
0xb0: {  	[dreg:$0x4] =	wrdreg $0x161280  }
0xb1: {  	[dreg:$0x5] =	wrdreg $0x22400  }
0xb2: {  	[dreg:$0x6] =	wrdreg $0x15C400  }
0xb3: {  	[dreg:$0x7] =	wrdreg $0x9  }
0xb4: {  	_ =	task.clear_ibuf [dreg:s7], $0x8FFFF;
	_ =	strace $0x90000046  }
0xb5: {  	s29 =	simm.s32 $0x9;
	_ =	strace $0x80000048  }
0xb6: {  	_ =	swait.ge [sflag:s29], $0x1  }
0xb7: {  	[sflag:s29] =	ssyncadd.s32 $0xFFFFFFFF  }
0xb8: {  	_ =	strace $0x90000048  }
0xb9: {  	_ =	sfence  }
0xba: {  	s30 =	sld [smem:$0x0];
	_ =	sdelay $0x2  }
0xbb: {  	s31 =	sshll.u32 s1, $0xD;
	s1 =	sshrl.u32 s1, $0x2  }
0xbc: {  	s3 =	sand.u32 $0x4000, s31;
	s1 =	sadd.s32 s1, s30  }
0xbd: {  	s0 =	sor.u32 s3, s0;
	s1 =	sshll.u32 s1, $0x11  }
0xbe: {  	s0 =	sor.u32 s1, s0  }
0xbf: {  	s0 =	sadd.s32 $0x8F2B, s0  }
0xc0: {  	[sflag:s0] =	ssyncadd.remote.s32 $0x1  }
0xc1: {  	_ =	sfence.sel $0xFFFF  }
0xc2: {  	[dreg:$0x0] =	wrdreg $0xFFFFFFFF;
	(pc) =	sbr.abs _section_cstart, $3  }
0xc3: {  	[dreg:$0x1] =	wrdreg $0xFFFFFFFF  }
0xc4: {  	_ =	task.clear_ibuf [dreg:s7], $0x2FFFF;
	_ =	strace $0x9FFFFFFF  }
0xc5: {  	(tm) =	ssettm $0x7FFFFFFF  }
tec
execute0_lowered:
.L_overlay_start_1:
0x0: {  	(tag) =	ssettag $0x1  }
0x1: {  	s0 =	rddreg [dreg:$0x0]  }
0x2: {  	s3 =	rddreg [dreg:$0x2]  }
0x3: {  	s4 =	rddreg [dreg:$0x3]  }
0x4: {  	s5 =	rddreg [dreg:$0x4]  }
0x5: {  	s16 =	stileid.u32;
	s7 =	srdreg.scid  }
0x6: {  	s6 =	simm.s32 $0x0;
	s28 =	simm.s32 $0x40;
	s1 =	smul.u32 $0x9C40, s16  }
0x7: {  	s29 =	simm.s32 $0x100;
	s30 =	simm.s32 $0x200;
	s2 =	smul.u32 $0x13A0, s16  }
0x8: {  	s31 =	simm.s32 $0x3;
	s7 =	sand.u32 $0x1, s7;
	s9 =	smul.u32 $0x4E8, s16  }
0x9: {  	[smem:$0x7FF] =	sst s6;
	s12 =	sadd.s32 $0x40200, s0;
	s14 =	smul.u32 $0x4E800, s16  }
0xa: {  	s8 =	smul.u32 $0x4E80, s7;
	_ =	strace $0x80000047;
	[dreg:$0x6] =	wrdreg s12  }
0xb: {  	s13 =	ssub.s32 $0x2, s7;
	p0 =	seq.s32 s7, $0x0;
	p1 =	sne.s32 s7, $0x0  }
0xc: {  	s10 =	sshrl.u32 s1, $0x3;
	s2 =	sadd.s32 s2, s0;
	s19 =	sshrl.u32 s9, $0x3  }
0xd: {  	s20 =	sshrl.u32 s13, $0x1;
	s21 =	sshrl.u32 s14, $0x2;
	s11 =	sadd.s32 s10, s0  }
0xe: {  	s18 =	sadd.s32 s9, s8;
	s8 =	sadd.s32 $0x3DA00, s0;
	s13 =	ssub.s32 s13, s20  }
0xf: {  	s12 =	sadd.s32 s21, s4;
	s9 =	sadd.s32 s9, s5;
	s15 =	sadd.s32 $0x2A000, s2  }
0x10: {  	s24 =	sadd.s32 $0x2A010, s2;
	s2 =	simm.s32 $0x1200;
	s10 =	sshll.u32 s18, $0x3  }
0x11: {  	s22 =	sadd.s32 $0x16600, s11;
	s23 =	sadd.s32 $0x2C00, s11;
	[dreg:$0x9] =	wrdreg s24  }
0x12: {  	s26 =	smax.u32 s13, $0x1;
	s11 =	simm.s32 $0x0;
	[dreg:$0x7] =	wrdreg s22  }
0x13: {  	s17 =	sadd.s32 s10, s0;
	s0 =	sadd.s32 s19, s0;
	[dreg:$0x8] =	wrdreg s23  }
0x14: {  	s10 =	sadd.s32 s1, s3;
	s1 =	sshll.u32 @p0 s16, $0x6;
	[dreg:$0xc] =	wrdreg s26  }
0x15: {  	s22 =	sshrl.u32 @p0 s12, $0x3;
	s19 =	smov.u32 s9;
	s23 =	sshrl.u32 @p0 s9, $0x3  }
.Ltmp0:
0x16: {  	s26 =	simm.s32 $0x1;
	s9 =	simm.s32 $0x5;
	(pc) =	sbr.rel .LBB2_1-.Ltmp0, $4  }
0x17: {  	s25 =	sadd.s32 $0x40400, s17;
	s0 =	sadd.s32 $0x8EC00, s0;
	s20 =	sor.u32 @p0 $0x1C01, s1  }
0x18: {  	s14 =	smov.u32 s10;
	s21 =	sshrl.u32 @p0 s10, $0x3;
	[dreg:$0xa] =	wrdreg s25  }
0x19: {  	s1 =	simm.s32 $0x2;
	[dreg:$0xb] =	wrdreg s0;
	s0 =	sshll.u32 @!p0 s16, $0x6  }
0x1a: {  	s25 =	simm.s32 $0x180;
	s24 =	sor.u32 @!p0 $0x1C01, s0;
	s0 =	simm.s32 $0x140  }
.LBB2_7:
0x1b: {  	_ =	swait.ge [sflag:s31], $0x1000  }
0x1c: {  	[sflag:s31] =	ssyncset.done $0x0  }
0x1d: {  	s10 =	simm.s32 @p1 $0x3;
	[sflag:s31] =	ssyncadd.s32 $0xFFFFF000  }
0x1e: {  	_ =	swait.ge @p1 [sflag:s10], $0x1000  }
0x1f: {  	[sflag:s10] =	ssyncset.done @p1 $0x0  }
0x20: {  	[sflag:s10] =	ssyncadd.s32 @p1 $0xFFFFF000;
	s10 =	simm.s32 @!p1 $0x4  }
0x21: {  	_ =	swait.ge @!p1 [sflag:s10], $0x40  }
0x22: {  	[sflag:s10] =	ssyncset.done @!p1 $0x0  }
0x23: {  	s13 =	simm.s32 @!p1 $0x3;
	[sflag:s10] =	ssyncadd.s32 @!p1 $0xFFFFFFC0  }
0x24: {  	_ =	swait.ge @!p1 [sflag:s13], $0x1000  }
0x25: {  	[sflag:s13] =	ssyncset.done @!p1 $0x0  }
0x26: {  	[sflag:s13] =	ssyncadd.s32 @!p1 $0xFFFFF000  }
0x27: {  	_ =	swait.ge @!p1 [sflag:s10], $0x40  }
0x28: {  	[sflag:s10] =	ssyncset.done @!p1 $0x0  }
0x29: {  	s16 =	stileid.u32;
	[sflag:s10] =	ssyncadd.s32 @!p1 $0xFFFFFFC0  }
0x2a: {  	s10 =	sshll.u32 s16, $0x6;
	[bflag:$0x0] =	sbarrier.arrive $0xFFFF  }
0x2b: {  	s17 =	sshrl.u32 s12, $0x3;
	s10 =	sor.u32 $0x1C05, s10;
	s16 =	rddreg [dreg:$0xa]  }
0x2c: {  	[hbm:s16], [sflag:s10] =	dma.local [spmem:s17], $0x2740  }
0x2d: {  	_ =	swait.ge [sflag:s9], $0x2740  }
0x2e: {  	[sflag:s9] =	ssyncset.done $0x0  }
0x2f: {  	s13 =	sshrl.u32 @!p1 s19, $0x3;
	s16 =	rddreg [dreg:$0xb];
	[sflag:s9] =	ssyncadd.s32 $0xFFFFD8C0  }
0x30: {  	[hbm:s16], [sflag:s10] =	dma.local @!p1 [spmem:s13], $0x9D  }
0x31: {  	s10 =	simm.s32 @!p1 $0x5  }
0x32: {  	_ =	swait.ge @!p1 [sflag:s10], $0x9D  }
0x33: {  	s11 =	sadd.s32 $0x1, s11;
	s18 =	rddreg [dreg:$0xc]  }
0x34: {  	p2 =	sne.s32 s11, s18  }
.Ltmp1:
0x35: {  	_ = 	snop;
	(pc) =	sbr.rel @!p2 .LBB2_8-.Ltmp1, $3  }
0x36: {  	_ =	sdelay $0x1  }
0x37: {  	[sflag:s10] =	ssyncset.done @!p1 $0x0  }
0x38: {  	[sflag:s10] =	ssyncadd.s32 @!p1 $0xFFFFFF63  }
.LBB2_1:
0x39: {  	s10 =	rddreg [dreg:$0x8]  }
0x3a: {  	[spmem:s21], [sflag:s20] =	dma.local @p0 [hbm:s10], $0x1388  }
0x3b: {  	[spmem:s22], [sflag:s20] =	dma.local @p0 [hbm:s8], $0x2740  }
0x3c: {  	s10 =	rddreg [dreg:$0x1]  }
0x3d: {  	[spmem:s23], [sflag:s20] =	dma.local @p0 [hbm:s10], $0x9D  }
0x3e: {  	s13 =	simm.s32 @p0 $0x0;
	s10 =	simm.s32 @p0 $0x2200;
	s16 =	rddreg [dreg:$0x6]  }
0x3f: {  	[tilespmem:s10], [sflag:$0x5] =	stream.linear.gather @p0 [hbm4b:s16+s13], $0x40, $0x38;
	[tilespmem:$0x1FD68] =	vst v63  }
0x40: {  	s10 =	simm.s32 @p0 $0x5  }
0x41: {  	_ =	swait.ge @p0 [sflag:s10], $0x40  }
0x42: {  	[sflag:s10] =	ssyncset.done @p0 $0x0  }
0x43: {  	[sflag:s10] =	ssyncadd.s32 @p0 $0xFFFFFFC0;
	s10 =	simm.s32 @p0 $0x1  }
0x44: {  	_ =	swait.ge @p0 [sflag:s10], $0x1388  }
0x45: {  	[sflag:s10] =	ssyncset.done @p0 $0x0  }
0x46: {  	[sflag:s10] =	ssyncadd.s32 @p0 $0xFFFFEC78  }
0x47: {  	_ =	swait.ge @p0 [sflag:s10], $0x2740  }
0x48: {  	[sflag:s10] =	ssyncset.done @p0 $0x0  }
0x49: {  	[sflag:s10] =	ssyncadd.s32 @p0 $0xFFFFD8C0  }
0x4a: {  	_ =	swait.ge @p0 [sflag:s10], $0x9D  }
0x4b: {  	[sflag:s10] =	ssyncset.done @p0 $0x0  }
0x4c: {  	s13 =	rddreg [dreg:$0x7];
	[sflag:s10] =	ssyncadd.s32 @p0 $0xFFFFFF63;
	s10 =	sshrl.u32 @!p0 s14, $0x3  }
0x4d: {  	[spmem:s10], [sflag:s24] =	dma.local @!p0 [hbm:s13], $0x1388  }
0x4e: {  	s10 =	sshrl.u32 @!p0 s12, $0x3  }
0x4f: {  	[spmem:s10], [sflag:s24] =	dma.local @!p0 [hbm:s8], $0x2740  }
0x50: {  	s10 =	simm.s32 @!p0 $0x1  }
0x51: {  	_ =	swait.ge @!p0 [sflag:s10], $0x1388  }
0x52: {  	[sflag:s10] =	ssyncset.done @!p0 $0x0  }
0x53: {  	[sflag:s10] =	ssyncadd.s32 @!p0 $0xFFFFEC78  }
0x54: {  	_ =	swait.ge @!p0 [sflag:s10], $0x2740  }
0x55: {  	[sflag:s10] =	ssyncset.done @!p0 $0x0  }
.Ltmp2:
0x56: {  	[sflag:s10] =	ssyncadd.s32 @!p0 $0xFFFFD8C0;
	(pc) =	sbr.rel .LBB2_2-.Ltmp2, $4  }
0x57: {  	[bflag:$0x0] =	sbarrier.arrive $0xFFFF  }
0x58: {  	[tilespmem:s6], [sflag:$0x1] =	stream.linear.gather [hbm4b:s15+s6], $0x80, $0x38;
	[tilespmem:$0x1FD68] =	vst v63  }
0x59: {  	s18 =	simm.s32 $0x80;
	s13 =	simm.s32 $0x0;
	s17 =	rddreg [dreg:$0x9]  }
0x5a: {  	[tilespmem:s18], [sflag:$0x1] =	stream.linear.gather [hbm4b:s17+s6], $0x80, $0x38;
	[tilespmem:$0x1FD68] =	vst v63  }
.LBB2_3:
0x5b: {  	[tilespmem:s30], [sflag:$0x2] =	stream.indirect.gather [spmem:s3], $0x40, s29, s28, $0xb8;
	[tilespmem:$0x1FD68] =	vst v63  }
.LBB2_5:
0x5c: {  	_ =	swait.ge [sflag:s31], $0x1000  }
0x5d: {  	[sflag:s31] =	ssyncset.done $0x0  }
0x5e: {  	s10 =	simm.s32 @!p1 $0x4;
	[sflag:s31] =	ssyncadd.s32 $0xFFFFF000  }
0x5f: {  	_ =	swait.ge @!p1 [sflag:s10], $0x40  }
0x60: {  	[sflag:s10] =	ssyncset.done @!p1 $0x0  }
0x61: {  	[sflag:s10] =	ssyncadd.s32 @!p1 $0xFFFFFFC0  }
.LBB2_6:
0x62: {  	_ =	swait.ge [sflag:s26], $0x80  }
0x63: {  	[sflag:s26] =	ssyncset.done $0x0  }
0x64: {  	[sflag:s26] =	ssyncadd.s32 $0xFFFFFF80  }
0x65: {  	v0 =	vld [tilespmem:$0x80]  }
0x66: {  	v1 =	vld [tilespmem:$0xC0]  }
0x67: {  	v2 =	vld [tilespmem:$0x90]  }
0x68: {  	v3 =	vld [tilespmem:$0xD0]  }
0x69: {  	v4 =	vld [tilespmem:$0xA0]  }
0x6a: {  	v61 =	vld [tilespmem:$0xE0];
	[tilespmem:$0x140] =	vst v0  }
0x6b: {  	v62 =	vld [tilespmem:$0xB0];
	[tilespmem:$0x1C0] =	vst v1  }
0x6c: {  	v63 =	vld [tilespmem:$0xF0];
	[tilespmem:$0x150] =	vst v2  }
0x6d: {  	[tilespmem:$0x1D0] =	vst v3  }
0x6e: {  	[tilespmem:$0x160] =	vst v4  }
0x6f: {  	p2 =	seq.s32 s13, $0x1380;
	[tilespmem:$0x1E0] =	vst v61  }
0x70: {  	s10 =	sadd.s32 @!p2 s13, s15;
	[tilespmem:$0x170] =	vst v62  }
0x71: {  	s16 =	simm.s32 @!p2 $0x0;
	s17 =	simm.s32 @!p2 $0x80;
	s10 =	sadd.s32 @!p2 $0x30, s10;
	[tilespmem:$0x1F0] =	vst v63  }
0x72: {  	[tilespmem:s17], [sflag:$0x1] =	stream.linear.gather @!p2 [hbm4b:s10+s16], $0x80, $0x38;
	[tilespmem:$0x1FD68] =	vst v63  }
0x73: {  	_ = 	snop  }
0x74: {  	[tilespmem:s2], [sflag:$0x2] =	stream.indirect.gather [spmem:s3], $0x40, s0, s28, $0xb8;
	[tilespmem:$0x1FD68] =	vst v63  }
0x75: {  	_ =	swait.ge [sflag:s1], $0x1000  }
0x76: {  	[sflag:s1] =	ssyncset.done $0x0  }
0x77: {  	s10 =	simm.s32 @p1 $0x2;
	[sflag:s1] =	ssyncadd.s32 $0xFFFFF000  }
0x78: {  	[spmem:s4] =	stream.indirect.scatter.add.f32 [tilespmem:s30], [sflag:$0x3], $0x40, s25, s28, $0xb8;
	[tilespmem:$0x1FD68] =	vst v63  }
0x79: {  	_ =	swait.ge @p1 [sflag:s10], $0x1000  }
0x7a: {  	s16 =	simm.s32 @p1 $0x1C0;
	[sflag:s10] =	ssyncset.done @p1 $0x0  }
0x7b: {  	s17 =	simm.s32 @p1 $0x1200;
	[sflag:s10] =	ssyncadd.s32 @p1 $0xFFFFF000;
	s10 =	simm.s32 @p1 $0x40  }
0x7c: {  	[spmem:s4] =	stream.indirect.scatter.add.f32 @p1 [tilespmem:s17], [sflag:$0x3], $0x40, s16, s10, $0xb8;
	[tilespmem:$0x1FD68] =	vst v63  }
0x7d: {  	s10 =	simm.s32 @!p1 $0x40;
	s16 =	simm.s32 @!p1 $0x180;
	s17 =	simm.s32 @!p1 $0x2200  }
0x7e: {  	[spmem:s5] =	stream.indirect.scatter.add.f32 @!p1 [tilespmem:s17], [sflag:$0x4], $0x1, s16, s10, $0xb8;
	[tilespmem:$0x1FD68] =	vst v63  }
0x7f: {  	s13 =	sadd.s32 $0x20, s13;
	s16 =	simm.s32 @!p1 $0x2  }
0x80: {  	p2 =	sne.s32 s13, $0x13A0;
	_ =	swait.ge @!p1 [sflag:s16], $0x1000  }
.Ltmp3:
0x81: {  	[sflag:s16] =	ssyncset.done @!p1 $0x0;
	(pc) =	sbr.rel @!p2 .LBB2_7-.Ltmp3, $4  }
0x82: {  	s18 =	simm.s32 @!p1 $0x1200;
	[sflag:s16] =	ssyncadd.s32 @!p1 $0xFFFFF000;
	s16 =	simm.s32 @!p1 $0x1C0  }
0x83: {  	[spmem:s4] =	stream.indirect.scatter.add.f32 @!p1 [tilespmem:s18], [sflag:$0x3], $0x40, s16, s10, $0xb8;
	[tilespmem:$0x1FD68] =	vst v63  }
0x84: {  	_ = 	snop  }
0x85: {  	[spmem:s5] =	stream.indirect.scatter.add.f32 @!p1 [tilespmem:s17], [sflag:$0x4], $0x1, s16, s10, $0xb8;
	[tilespmem:$0x1FD68] =	vst v63  }
.LBB2_2:
0x86: {  	p2 =	seq.s32 s13, $0x0  }
0x87: {  	s10 =	simm.s32 @!p2 $0x3  }
0x88: {  	p3 =	sne.s32 @!p2 s7, $0x0;
	_ =	swait.ge @!p2 [sflag:s10], $0x1000  }
0x89: {  	p3 =	por p3, p2;
	[sflag:s10] =	ssyncset.done @!p2 $0x0  }
0x8a: {  	[sflag:s10] =	ssyncadd.s32 @!p2 $0xFFFFF000;
	s10 =	simm.s32 @!p3 $0x4  }
0x8b: {  	_ =	swait.ge @!p3 [sflag:s10], $0x40  }
0x8c: {  	[sflag:s10] =	ssyncset.done @!p3 $0x0  }
0x8d: {  	[sflag:s10] =	ssyncadd.s32 @!p3 $0xFFFFFFC0  }
0x8e: {  	_ =	swait.ge [sflag:s26], $0x80  }
0x8f: {  	[sflag:s26] =	ssyncset.done $0x0  }
0x90: {  	[sflag:s26] =	ssyncadd.s32 $0xFFFFFF80  }
0x91: {  	v0 =	vld [tilespmem:$0x0]  }
0x92: {  	v1 =	vld [tilespmem:$0x40]  }
0x93: {  	v2 =	vld [tilespmem:$0x10]  }
0x94: {  	v3 =	vld [tilespmem:$0x50]  }
0x95: {  	v4 =	vld [tilespmem:$0x20]  }
0x96: {  	v61 =	vld [tilespmem:$0x60];
	[tilespmem:$0x100] =	vst v0  }
0x97: {  	v62 =	vld [tilespmem:$0x30];
	[tilespmem:$0x180] =	vst v1  }
0x98: {  	p3 =	sne.s32 s13, $0x1380;
	v63 =	vld [tilespmem:$0x70];
	[tilespmem:$0x110] =	vst v2  }
.Ltmp4:
0x99: {  	[tilespmem:$0x190] =	vst v3;
	(pc) =	sbr.rel @!p3 .LBB2_3-.Ltmp4, $4  }
0x9a: {  	[tilespmem:$0x120] =	vst v4  }
0x9b: {  	[tilespmem:$0x1A0] =	vst v61  }
0x9c: {  	[tilespmem:$0x130] =	vst v62  }
0x9d: {  	[tilespmem:$0x1B0] =	vst v63  }
.Ltmp5:
0x9e: {  	s10 =	sadd.s32 s13, s15;
	(pc) =	sbr.rel @!p2 .LBB2_5-.Ltmp5, $4  }
.Ltmp6:
0x9f: {  	s10 =	sadd.s32 $0x20, s10;
	(pc) =	sbr.rel @p2 .LBB2_6-.Ltmp6, $4  }
0xa0: {  	[tilespmem:s6], [sflag:$0x1] =	stream.linear.gather [hbm4b:s10+s6], $0x80, $0x38;
	[tilespmem:$0x1FD68] =	vst v63  }
0xa1: {  	_ = 	snop  }
0xa2: {  	[tilespmem:s30], [sflag:$0x2] =	stream.indirect.gather [spmem:s3], $0x40, s29, s28, $0xb8;
	[tilespmem:$0x1FD68] =	vst v63  }
0xa3: {  	_ = 	snop  }
.LBB2_8:
0xa4: {  	_ =	sfence.sel $0x180000  }
0xa5: {  	[bflag:$0x0] =	sbarrier.arrive $0xFFFF  }
0xa6: {  	_ =	strace $0x90000047  }
0xa7: {  	s0 =	stileid.u32;
	[bflag:$0x2] =	sbarrier.arrive $0xFFFF  }
0xa8: {  	p0 =	sne.s32 s0, $0x0;
	s0 =	rddreg [dreg:$0x5]  }
0xa9: {  	s0 =	sadd.s32 @!p0 $0x100000, s0  }
0xaa: {  	[sflag:s0] =	ssyncadd.tile.s32 @!p0 $0x1;
	_ =	shalt  }
.Lfunc_end2:
_tile_overlayer_lowered:
.L_overlay_start_2:
0xab: {  	(tag) =	ssettag $0x2  }
0xac: {  	s0 =	rddreg [dreg:$0x0];
	s2 =	stileid.u32  }
0xad: {  	s1 =	rddreg [dreg:$0x1];
	p0 =	sne.s32 s2, $0x0  }
0xae: {  	s3 =	rddreg [dreg:$0x2];
	[bflag:$0x3] =	sbarrier.arrive $0xFFFF;
	s2 =	simm.s32 @!p0 $0x1C05  }
0xaf: {  	[timem:s3], [sflag:s2] =	dma.local @!p0 [hbm:s0], s1  }
0xb0: {  	s0 =	simm.s32 @!p0 $0x5  }
0xb1: {  	_ =	swait.ge @!p0 [sflag:s0], s1  }
0xb2: {  	s1 =	ssub.s32 @!p0 $0x0, s1;
	[sflag:s0] =	ssyncset.done @!p0 $0x0  }
0xb3: {  	[sflag:s0] =	ssyncadd.s32 @!p0 s1  }
0xb4: {  	[bflag:$0x3] =	sbarrier.arrive $0xFFFF  }
0xb5: {  	_ =	shalt  }

</sc_bundles>
